<compile_context>
chip_gen: v7x
topology: tpu7x:2x2x1
jax: 0.10.2.dev20260603
libtpu: 0.0.44.dev20260713+nightly
codegen_flags: <defaults>
</compile_context>

<pallas_src>
import functools

import jax
import jax.numpy as jnp
from jax import lax
from jax.experimental import pallas as pl
from jax.experimental.pallas import tpu as pltpu
from jax.experimental.pallas import tpu_sc as plsc

IN_PLANES = 128
OUT_PLANES = 128
MID = OUT_PLANES // 2
SHARE = 8
NSAMPLE = 16
B = 2
S = 4096
N = 4096

QB = 256
NBLK = S // QB
NTOT = B * S
CNT = float(NTOT * NSAMPLE)
KV = MID + OUT_PLANES
KVP = 256
EPS = 1e-5

HI = jax.lax.Precision.HIGHEST


def _dot(a, b):
    return lax.dot_general(a, b, (((a.ndim - 1,), (0,)), ((), ())),
                           precision=HI, preferred_element_type=jnp.float32)


def _kv_kernel(p2_ref, xyz2_ref, wkv_ref, bkv_ref, outv_ref, outk_ref):
    mm = _dot(p2_ref[0], wkv_ref[...]) + bkv_ref[...]
    outv_ref[0] = mm[:, 0:OUT_PLANES]
    outk_ref[0] = jnp.concatenate(
        [mm[:, OUT_PLANES:], xyz2_ref[0],
         jnp.zeros((N, 128 - MID - 3), jnp.float32)], axis=1)


def _build_kv_table(points2, xyz2, Wk, bk, Wv, bv):
    wkv = jnp.concatenate([Wv, Wk], axis=1)
    bkv = jnp.concatenate([bv, bk])[None, :]
    tv, tk = pl.pallas_call(
        _kv_kernel,
        grid=(B,),
        in_specs=[
            pl.BlockSpec((1, N, IN_PLANES), lambda b: (b, 0, 0)),
            pl.BlockSpec((1, N, 3), lambda b: (b, 0, 0)),
            pl.BlockSpec((IN_PLANES, KV), lambda b: (0, 0)),
            pl.BlockSpec((1, KV), lambda b: (0, 0)),
        ],
        out_specs=[
            pl.BlockSpec((1, N, 128), lambda b: (b, 0, 0)),
            pl.BlockSpec((1, N, 128), lambda b: (b, 0, 0)),
        ],
        out_shape=[
            jax.ShapeDtypeStruct((B, N, 128), jnp.float32),
            jax.ShapeDtypeStruct((B, N, 128), jnp.float32),
        ],
    )(points2, xyz2, wkv, bkv)
    return tv.reshape(B * N, 128), tk.reshape(B * N, 128)


def _knn_kernel(xyz1_ref, xyz2t_ref, p1_ref, wq_ref, bq_ref,
                idx_ref, xq_ref):
    b = pl.program_id(0)

    q = xyz1_ref[0]
    k_t = xyz2t_ref[0]

    qk = lax.dot_general(q.astype(jnp.bfloat16), k_t.astype(jnp.bfloat16),
                         (((1,), (0,)), ((), ())),
                         preferred_element_type=jnp.float32)
    q2 = (q[:, 0:1] * q[:, 0:1] + q[:, 1:2] * q[:, 1:2]
          + q[:, 2:3] * q[:, 2:3])
    k2 = (k_t[0:1, :] * k_t[0:1, :] + k_t[1:2, :] * k_t[1:2, :]
          + k_t[2:3, :] * k_t[2:3, :])
    dist = -2.0 * qk
    dist = dist + q2
    dist = dist + k2

    iota_n = lax.broadcasted_iota(jnp.int32, (QB, N), 1)
    iota_k = lax.broadcasted_iota(jnp.int32, (QB, NSAMPLE), 1)
    inf = jnp.float32(jnp.inf)

    def topk_body(j, carry):
        dist, idx_acc = carry
        m = jnp.min(dist, axis=1, keepdims=True)
        amin = jnp.min(jnp.where(dist == m, iota_n, N),
                       axis=1, keepdims=True)
        idx_acc = jnp.where(iota_k == j, amin + b * N, idx_acc)
        dist = jnp.where(iota_n == amin, inf, dist)
        return dist, idx_acc

    _, idx_acc = lax.fori_loop(
        0, NSAMPLE, topk_body,
        (dist, jnp.zeros((QB, NSAMPLE), jnp.int32)))

    idx_ref[0] = idx_acc
    xq_ref[0] = _dot(p1_ref[0], wq_ref[...]) + bq_ref[...]


def _run_knn(xyz1, xyz2, points1, Wq, bq):
    xyz2t = jnp.swapaxes(xyz2, 1, 2)
    return pl.pallas_call(
        _knn_kernel,
        grid=(B, NBLK),
        in_specs=[
            pl.BlockSpec((1, QB, 3), lambda b, s: (b, s, 0)),
            pl.BlockSpec((1, 3, N), lambda b, s: (b, 0, 0)),
            pl.BlockSpec((1, QB, IN_PLANES), lambda b, s: (b, s, 0)),
            pl.BlockSpec((IN_PLANES, MID), lambda b, s: (0, 0)),
            pl.BlockSpec((1, MID), lambda b, s: (0, 0)),
        ],
        out_specs=[
            pl.BlockSpec((1, QB, NSAMPLE), lambda b, s: (b, s, 0)),
            pl.BlockSpec((1, QB, MID), lambda b, s: (b, s, 0)),
        ],
        out_shape=[
            jax.ShapeDtypeStruct((B, S, NSAMPLE), jnp.int32),
            jax.ShapeDtypeStruct((B, S, MID), jnp.float32),
        ],
        compiler_params=pltpu.CompilerParams(
            dimension_semantics=("arbitrary", "arbitrary")),
    )(xyz1, xyz2t, points1, Wq, bq[None, :])


def _pr_kernel(kvx_ref, xyz1_ref, pr_ref, st_ref, acc_ref):
    i = pl.program_id(0)

    @pl.when(i == 0)
    def _():
        acc_ref[...] = jnp.zeros_like(acc_ref)

    pr = kvx_ref[:, :, 64:67] - xyz1_ref[...][:, None, :]
    pr_ref[...] = pr

    s1 = jnp.sum(pr, axis=(0, 1)).reshape(1, 3)
    prf = pr.reshape(QB * NSAMPLE, 3)
    s2 = lax.dot_general(prf, prf, (((0,), (0,)), ((), ())),
                         precision=HI, preferred_element_type=jnp.float32)
    z = jnp.zeros((1, 5), jnp.float32)
    acc_ref[...] += jnp.concatenate(
        [jnp.concatenate([s1, z], axis=1),
         jnp.concatenate([s2, jnp.zeros((3, 5), jnp.float32)], axis=1),
         jnp.zeros((4, 8), jnp.float32)], axis=0)

    @pl.when(i == _NQB - 1)
    def _():
        st_ref[...] = acc_ref[...]


def _run_prstats(kv, xyz1f):
    return pl.pallas_call(
        _pr_kernel,
        grid=(_NQB,),
        in_specs=[
            pl.BlockSpec((QB, NSAMPLE, 128), lambda i: (i, 0, 0)),
            pl.BlockSpec((QB, 3), lambda i: (i, 0)),
        ],
        out_specs=[
            pl.BlockSpec((QB, NSAMPLE, 3), lambda i: (i, 0, 0)),
            pl.BlockSpec((8, 8), lambda i: (0, 0)),
        ],
        out_shape=[
            jax.ShapeDtypeStruct((NTOT, NSAMPLE, 3), jnp.float32),
            jax.ShapeDtypeStruct((8, 8), jnp.float32),
        ],
        scratch_shapes=[pltpu.VMEM((8, 8), jnp.float32)],
        compiler_params=pltpu.CompilerParams(
            dimension_semantics=("arbitrary",)),
    )(kv, xyz1f)


GC = 128
NW = 32
ROWS_W = (NTOT * NSAMPLE) // NW
NCH = ROWS_W // GC


def _gather_rows(table, idx_flat):
    mesh = plsc.VectorSubcoreMesh(core_axis_name="c", subcore_axis_name="s")

    @functools.partial(
        pl.kernel,
        mesh=mesh,
        out_type=jax.ShapeDtypeStruct((NTOT * NSAMPLE, 128), jnp.float32),
        scratch_types=[
            pltpu.VMEM((GC,), jnp.int32),
            pltpu.VMEM((GC, 128), jnp.float32),
            pltpu.SemaphoreType.DMA,
        ],
    )
    def gat(table_hbm, idx_hbm, out_hbm, idx_v, rows_v, sem):
        wid = lax.axis_index("s") * 2 + lax.axis_index("c")
        base = wid * ROWS_W

        def body(ch, _):
            off = base + ch * GC
            pltpu.sync_copy(idx_hbm.at[pl.ds(off, GC)], idx_v)
            pltpu.async_copy(table_hbm.at[idx_v], rows_v, sem).wait()
            pltpu.sync_copy(rows_v, out_hbm.at[pl.ds(off, GC)])
            return 0

        lax.fori_loop(0, NCH, body, 0)

    return gat(table, idx_flat)


def _linear_p(pr, st_ref, wp1_ref, bp1_ref, gp_ref, bp_ref, wp2_ref, bp2_ref):
    W = wp1_ref[...]
    s1 = st_ref[0:1, 0:3]
    S2 = st_ref[1:4, 0:3]
    t = _dot(s1, W)
    u = jnp.sum(W * _dot(S2, W), axis=0, keepdims=True)
    b1 = bp1_ref[...]
    mean = t / CNT + b1
    ex2 = u / CNT + 2.0 * b1 * (t / CNT) + b1 * b1
    var = ex2 - mean * mean
    sc = gp_ref[...] * lax.rsqrt(var + EPS)
    sh = bp_ref[...] - mean * sc
    prf = pr.reshape(pr.shape[0] * NSAMPLE, 3)
    pp = _dot(prf, W) + b1
    ppn = jnp.maximum(pp * sc + sh, 0.0)
    p2 = _dot(ppn, wp2_ref[...]) + bp2_ref[...]
    return p2.reshape(pr.shape[0], NSAMPLE, OUT_PLANES)


def _w_pre(kv_ref, xq_ref, pr_ref, st_ref, wp1_ref, bp1_ref, gp_ref, bp_ref,
           wp2_ref, bp2_ref):
    p = _linear_p(pr_ref[...], st_ref, wp1_ref, bp1_ref, gp_ref, bp_ref,
                  wp2_ref, bp2_ref)
    x_k = kv_ref[:, :, 0:MID]
    w = x_k - xq_ref[...][:, None, :] + p[:, :, 0:MID] + p[:, :, MID:]
    return w, p


_SMALL_SPECS = [
    pl.BlockSpec((8, 8), lambda i: (0, 0)),
    pl.BlockSpec((3, 3), lambda i: (0, 0)),
    pl.BlockSpec((1, 3), lambda i: (0, 0)),
    pl.BlockSpec((1, 3), lambda i: (0, 0)),
    pl.BlockSpec((1, 3), lambda i: (0, 0)),
    pl.BlockSpec((3, OUT_PLANES), lambda i: (0, 0)),
    pl.BlockSpec((1, OUT_PLANES), lambda i: (0, 0)),
]
_NQB = NTOT // QB


def _bn2_kernel(kv_ref, xq_ref, pr_ref, st_ref, wp1_ref, bp1_ref, gp_ref,
                bp_ref, wp2_ref, bp2_ref, wpre_ref, out_ref, s_ref, ss_ref):
    i = pl.program_id(0)

    @pl.when(i == 0)
    def _():
        s_ref[...] = jnp.zeros_like(s_ref)
        ss_ref[...] = jnp.zeros_like(ss_ref)

    w, _ = _w_pre(kv_ref, xq_ref, pr_ref, st_ref, wp1_ref, bp1_ref, gp_ref,
                  bp_ref, wp2_ref, bp2_ref)
    wpre_ref[...] = w
    s_ref[...] += jnp.sum(w, axis=(0, 1))[None, :]
    ss_ref[...] += jnp.sum(w * w, axis=(0, 1))[None, :]

    @pl.when(i == _NQB - 1)
    def _():
        out_ref[...] = jnp.concatenate(
            [s_ref[...], ss_ref[...], jnp.zeros((6, MID), jnp.float32)],
            axis=0)


def _run_bn2(kv, xq, pr, stats, Wp1, bp1, gp, bp, Wp2, bp2):
    return pl.pallas_call(
        _bn2_kernel,
        grid=(_NQB,),
        in_specs=[
            pl.BlockSpec((QB, NSAMPLE, 128), lambda i: (i, 0, 0)),
            pl.BlockSpec((QB, MID), lambda i: (i, 0)),
            pl.BlockSpec((QB, NSAMPLE, 3), lambda i: (i, 0, 0)),
        ] + _SMALL_SPECS,
        out_specs=[
            pl.BlockSpec((QB, NSAMPLE, MID), lambda i: (i, 0, 0)),
            pl.BlockSpec((8, MID), lambda i: (0, 0)),
        ],
        out_shape=[
            jax.ShapeDtypeStruct((NTOT, NSAMPLE, MID), jnp.float32),
            jax.ShapeDtypeStruct((8, MID), jnp.float32),
        ],
        scratch_shapes=[pltpu.VMEM((1, MID), jnp.float32),
                        pltpu.VMEM((1, MID), jnp.float32)],
        compiler_params=pltpu.CompilerParams(
            dimension_semantics=("arbitrary",)),
    )(kv, xq, pr, stats, Wp1, bp1[None, :], gp[None, :], bp[None, :], Wp2,
      bp2[None, :])


def _bn_vec(stats_ref, g_ref, b_ref, width):
    mean = stats_ref[0:1, :] / CNT
    var = stats_ref[1:2, :] / CNT - mean * mean
    sc = g_ref[...] / jnp.sqrt(var + EPS)
    sh = b_ref[...] - mean * sc
    return sc.reshape(1, 1, width), sh.reshape(1, 1, width)


def _w1_kernel(wpre_ref, bn2_ref, gw1_ref, bw1g_ref, ww1_ref,
               bw1_ref, w1_ref, out_ref, s_ref, ss_ref):
    i = pl.program_id(0)

    @pl.when(i == 0)
    def _():
        s_ref[...] = jnp.zeros_like(s_ref)
        ss_ref[...] = jnp.zeros_like(ss_ref)

    sc, sh = _bn_vec(bn2_ref, gw1_ref, bw1g_ref, MID)
    w = jnp.maximum(wpre_ref[...] * sc + sh, 0.0)
    w1 = _dot(w.reshape(QB * NSAMPLE, MID), ww1_ref[...]) + bw1_ref[...]
    w1 = w1.reshape(QB, NSAMPLE, MID // SHARE)
    w1_ref[...] = w1
    s_ref[...] += jnp.sum(w1, axis=(0, 1))[None, :]
    ss_ref[...] += jnp.sum(w1 * w1, axis=(0, 1))[None, :]

    @pl.when(i == _NQB - 1)
    def _():
        out_ref[...] = jnp.concatenate(
            [s_ref[...], ss_ref[...],
             jnp.zeros((6, MID // SHARE), jnp.float32)], axis=0)


def _run_w1(wpre, bn2, gw1, bw1g, Ww1, bw1):
    return pl.pallas_call(
        _w1_kernel,
        grid=(_NQB,),
        in_specs=[
            pl.BlockSpec((QB, NSAMPLE, MID), lambda i: (i, 0, 0)),
            pl.BlockSpec((8, MID), lambda i: (0, 0)),
            pl.BlockSpec((1, MID), lambda i: (0, 0)),
            pl.BlockSpec((1, MID), lambda i: (0, 0)),
            pl.BlockSpec((MID, MID // SHARE), lambda i: (0, 0)),
            pl.BlockSpec((1, MID // SHARE), lambda i: (0, 0)),
        ],
        out_specs=[
            pl.BlockSpec((QB, NSAMPLE, MID // SHARE), lambda i: (i, 0, 0)),
            pl.BlockSpec((8, MID // SHARE), lambda i: (0, 0)),
        ],
        out_shape=[
            jax.ShapeDtypeStruct((NTOT, NSAMPLE, MID // SHARE), jnp.float32),
            jax.ShapeDtypeStruct((8, MID // SHARE), jnp.float32),
        ],
        scratch_shapes=[pltpu.VMEM((1, MID // SHARE), jnp.float32),
                        pltpu.VMEM((1, MID // SHARE), jnp.float32)],
        compiler_params=pltpu.CompilerParams(
            dimension_semantics=("arbitrary",)),
    )(wpre, bn2, gw1[None, :], bw1g[None, :], Ww1, bw1[None, :])


def _out_kernel(kv_ref, pr_ref, w1_ref, st_ref, wp1_ref, bp1_ref, gp_ref,
                bp_ref, wp2_ref, bp2_ref, bn3_ref, gw2_ref, bw2g_ref, ww2_ref,
                bw2_ref, x_ref):
    p = _linear_p(pr_ref[...], st_ref, wp1_ref, bp1_ref, gp_ref, bp_ref,
                  wp2_ref, bp2_ref)
    sc, sh = _bn_vec(bn3_ref, gw2_ref, bw2g_ref, MID // SHARE)
    w1 = jnp.maximum(w1_ref[...] * sc + sh, 0.0)
    w2 = _dot(w1.reshape(QB * NSAMPLE, MID // SHARE), ww2_ref[...])
    w2 = w2.reshape(QB, NSAMPLE, OUT_PLANES // SHARE) + \
        bw2_ref[...].reshape(1, 1, OUT_PLANES // SHARE)
    m = jnp.max(w2, axis=1, keepdims=True)
    e = jnp.exp(w2 - m)
    w = e * (1.0 / jnp.sum(e, axis=1, keepdims=True))
    wtile = jnp.concatenate([w] * SHARE, axis=2)
    x_v = kv_ref[...]
    x_ref[...] = (x_v + p) * wtile


def _run_out(kv, pr, w1, stats, Wp1, bp1, gp, bp, Wp2, bp2, bn3, gw2, bw2g,
             Ww2, bw2):
    return pl.pallas_call(
        _out_kernel,
        grid=(_NQB,),
        in_specs=[
            pl.BlockSpec((QB, NSAMPLE, 128), lambda i: (i, 0, 0)),
            pl.BlockSpec((QB, NSAMPLE, 3), lambda i: (i, 0, 0)),
            pl.BlockSpec((QB, NSAMPLE, MID // SHARE), lambda i: (i, 0, 0)),
        ] + _SMALL_SPECS + [
            pl.BlockSpec((8, MID // SHARE), lambda i: (0, 0)),
            pl.BlockSpec((1, MID // SHARE), lambda i: (0, 0)),
            pl.BlockSpec((1, MID // SHARE), lambda i: (0, 0)),
            pl.BlockSpec((MID // SHARE, OUT_PLANES // SHARE), lambda i: (0, 0)),
            pl.BlockSpec((1, OUT_PLANES // SHARE), lambda i: (0, 0)),
        ],
        out_specs=pl.BlockSpec((QB, NSAMPLE, OUT_PLANES), lambda i: (i, 0, 0)),
        out_shape=jax.ShapeDtypeStruct((NTOT, NSAMPLE, OUT_PLANES),
                                       jnp.float32),
    )(kv, pr, w1, stats, Wp1, bp1[None, :], gp[None, :], bp[None, :], Wp2,
      bp2[None, :], bn3,
      gw2[None, :], bw2g[None, :], Ww2, bw2[None, :])


def kernel(xyz1, xyz2, points1, points2, Wq, bq, Wk, bk, Wv, bv, Wp1, bp1,
           gp, bp, Wp2, bp2, gw1, bw1g, Ww1, bw1, gw2, bw2g, Ww2, bw2):
    t_v, t_kx = _build_kv_table(points2, xyz2, Wk, bk, Wv, bv)
    idx, xq = _run_knn(xyz1, xyz2, points1, Wq, bq)
    idx_flat = idx.reshape(NTOT * NSAMPLE)

    g_kx = _gather_rows(t_kx, idx_flat).reshape(NTOT, NSAMPLE, 128)
    g_v = _gather_rows(t_v, idx_flat).reshape(NTOT, NSAMPLE, 128)

    pr_f, stats = _run_prstats(g_kx, xyz1.reshape(NTOT, 3))
    xq_f = xq.reshape(NTOT, MID)

    wpre, bn2 = _run_bn2(g_kx, xq_f, pr_f, stats, Wp1, bp1, gp, bp, Wp2, bp2)
    w1, bn3 = _run_w1(wpre, bn2, gw1, bw1g, Ww1, bw1)
    x = _run_out(g_v, pr_f, w1, stats, Wp1, bp1, gp, bp, Wp2, bp2, bn3,
                 gw2, bw2g, Ww2, bw2)
    return (x, pr_f)

# --- scband reference (transcript-rebuilt; emitter-appended) ---
"""Pipeline reference for scband-cross-bn-point-transformer-layer-25220047962575 (READ-ONLY COPY).

The authoritative reference and input builder live on the scoring server;
editing this copy changes nothing except your own understanding.
"""

import jax, jax.numpy as jnp
import numpy as np

IN_PLANES = 128
OUT_PLANES = 128
MID = OUT_PLANES // 2
SHARE = 8
NSAMPLE = 16
B = 2
S = 4096
N = 4096


def _bn(x, gamma, beta, eps=1e-5):
    # training-mode BatchNorm1d applied on transposed input: x [n, L, C], normalize per channel C over (n, L)
    mean = jnp.mean(x, axis=(0, 1), keepdims=True)
    var = jnp.var(x, axis=(0, 1), keepdims=True)
    return (x - mean) / jnp.sqrt(var + eps) * gamma + beta


def _gather(points, idx):
    # points [B, N, C], idx [B, S, K] -> [B, S, K, C]
    return jax.vmap(lambda p, i: p[i])(points, idx)


def setup_inputs(seed: int = 0):
    key = jax.random.key(seed)
    ks = jax.random.split(key, 16)
    sc = 0.05
    inp = {}
    inp['xyz1'] = jax.random.normal(ks[0], (B, S, 3), jnp.float32)
    inp['xyz2'] = jax.random.normal(ks[1], (B, N, 3), jnp.float32)
    inp['points1'] = jax.random.normal(ks[2], (B, S, IN_PLANES), jnp.float32)
    inp['points2'] = jax.random.normal(ks[3], (B, N, IN_PLANES), jnp.float32)
    inp['Wq'] = jax.random.normal(ks[4], (IN_PLANES, MID), jnp.float32) * sc
    inp['bq'] = jnp.zeros((MID,), jnp.float32)
    inp['Wk'] = jax.random.normal(ks[5], (IN_PLANES, MID), jnp.float32) * sc
    inp['bk'] = jnp.zeros((MID,), jnp.float32)
    inp['Wv'] = jax.random.normal(ks[6], (IN_PLANES, OUT_PLANES), jnp.float32) * sc
    inp['bv'] = jnp.zeros((OUT_PLANES,), jnp.float32)
    inp['Wp1'] = jax.random.normal(ks[7], (3, 3), jnp.float32) * sc
    inp['bp1'] = jnp.zeros((3,), jnp.float32)
    inp['gp'] = jnp.ones((3,), jnp.float32)
    inp['bp'] = jnp.zeros((3,), jnp.float32)
    inp['Wp2'] = jax.random.normal(ks[8], (3, OUT_PLANES), jnp.float32) * sc
    inp['bp2'] = jnp.zeros((OUT_PLANES,), jnp.float32)
    inp['gw1'] = jnp.ones((MID,), jnp.float32)
    inp['bw1g'] = jnp.zeros((MID,), jnp.float32)
    inp['Ww1'] = jax.random.normal(ks[9], (MID, MID // SHARE), jnp.float32) * sc
    inp['bw1'] = jnp.zeros((MID // SHARE,), jnp.float32)
    inp['gw2'] = jnp.ones((MID // SHARE,), jnp.float32)
    inp['bw2g'] = jnp.zeros((MID // SHARE,), jnp.float32)
    inp['Ww2'] = jax.random.normal(ks[10], (MID // SHARE, OUT_PLANES // SHARE), jnp.float32) * sc
    inp['bw2'] = jnp.zeros((OUT_PLANES // SHARE,), jnp.float32)
    return inp


def reference(xyz1, xyz2, points1, points2, Wq, bq, Wk, bk, Wv, bv, Wp1, bp1, gp, bp, Wp2, bp2, gw1, bw1g, Ww1, bw1, gw2, bw2g, Ww2, bw2):
    x_q = points1 @ Wq + bq
    x_kf = points2 @ Wk + bk
    x_vf = points2 @ Wv + bv
    # square_distance(xyz1, xyz2): [B, S, N]
    dist = -2.0 * (xyz1 @ jnp.swapaxes(xyz2, 1, 2))
    dist = dist + jnp.sum(xyz1 ** 2, axis=-1)[:, :, None]
    dist = dist + jnp.sum(xyz2 ** 2, axis=-1)[:, None, :]
    _, idx = jax.lax.top_k(-dist, NSAMPLE)  # smallest distances
    grouped_xyz = _gather(xyz2, idx)
    grouped_xyz_norm = grouped_xyz - xyz1[:, :, None, :]
    grouped_k = _gather(x_kf, idx)
    x_k = jnp.concatenate([grouped_xyz_norm, grouped_k], axis=-1)
    x_v = _gather(x_vf, idx)
    n = B * S
    x_q = x_q.reshape(n, MID)
    x_k = x_k.reshape(n, NSAMPLE, MID + 3)
    x_v = x_v.reshape(n, NSAMPLE, OUT_PLANES)
    p_r = x_k[:, :, 0:3]
    x_k = x_k[:, :, 3:]
    out_p_r = p_r
    # linear_p: Linear(3,3) -> BN(3) (transposed) -> ReLU -> Linear(3, out)
    p = p_r @ Wp1 + bp1
    p = _bn(p, gp, bp)
    p = jax.nn.relu(p)
    p = p @ Wp2 + bp2
    w = x_k - x_q[:, None, :] + p.reshape(n, NSAMPLE, OUT_PLANES // MID, MID).sum(2)
    # linear_w: BN(mid) -> ReLU -> Linear -> BN -> ReLU -> Linear
    w = _bn(w, gw1, bw1g)
    w = jax.nn.relu(w)
    w = w @ Ww1 + bw1
    w = _bn(w, gw2, bw2g)
    w = jax.nn.relu(w)
    w = w @ Ww2 + bw2
    w = jax.nn.softmax(w, axis=1)
    c = OUT_PLANES
    x = ((x_v + p).reshape(n, NSAMPLE, SHARE, c // SHARE) * w[:, :, None, :]).reshape(n, NSAMPLE, c)
    return (x, out_p_r)

if __name__ == "__main__":
    import jax
    _d = setup_inputs()
    print(jax.jit(kernel)(*tuple(_d.values())))

</pallas_src>

<mosaic_0001>
#map = affine_map<(d0, d1) -> (0, 0)>
#map1 = affine_map<(d0, d1) -> (0)>
module attributes {stable_mosaic.version = 14 : i64} {
  func.func @gat(%arg0: i32, %arg1: i32, %arg2: memref<8192x128xf32, #tpu.memory_space<hbm>>, %arg3: memref<131072xi32, #tpu.memory_space<hbm>>, %arg4: memref<131072x128xf32, #tpu.memory_space<hbm>>, %arg5: memref<128xi32, #tpu.memory_space<vmem>>, %arg6: memref<128x128xf32, #tpu.memory_space<vmem>>, %arg7: memref<!tpu.dma_semaphore, #tpu.memory_space<semaphore_mem>>) attributes {dimension_semantics = [#tpu.dimension_semantics<core_parallel>, #tpu.dimension_semantics<subcore_parallel>], iteration_bounds = array<i64: 2, 16>, scalar_prefetch = 0 : i64, scratch_operands = 3 : i64, tpu.core_type = #tpu.core_type<sc_vector_subcore>, window_params = [{transform_indices = #map}, {transform_indices = #map1}, {transform_indices = #map}]} {
    %mul3A = arith.constant 2 : i32
    %mul3A_0 = arith.muli %arg1, %mul3A : i32
    %add3A = arith.addi %mul3A_0, %arg0 : i32
    %mul3A_1 = arith.constant 4096 : i32
    %mul3A_2 = arith.muli %add3A, %mul3A_1 : i32
    %scan3A = arith.constant 0 : i32
    %scan3A_3 = arith.constant 0 : i32
    %scan3A_4 = arith.constant 32 : i32
    %scan3A_5 = arith.addi %scan3A_3, %scan3A_4 : i32
    %scan3A_6 = arith.constant 1 : i32
    %scan3A_7 = scf.for %scan3A_9 = %scan3A_3 to %scan3A_5 step %scan3A_6 iter_args(%scan3A_10 = %scan3A) -> (i32)  : i32 {
      %mul3A_11 = arith.constant 128 : i32
      %mul3A_12 = arith.muli %scan3A_9, %mul3A_11 : i32
      %add3A_13 = arith.addi %mul3A_2, %mul3A_12 : i32
      "tpu.region"() ({
        %run_scoped3A = tpu.sem_alloc : memref<!tpu.dma_semaphore, #tpu.memory_space<semaphore_mem>>
        %dma_start3A_19 = tpu.memref_slice %arg3[%add3A_13] : memref<131072xi32, #tpu.memory_space<hbm>> -> memref<128xi32, #tpu.memory_space<hbm>>
        %dma_start3A_20 = tpu.memref_slice %arg3[%add3A_13] : memref<131072xi32, #tpu.memory_space<hbm>> -> memref<128xi32, #tpu.memory_space<hbm>>
        tpu.enqueue_dma source(%dma_start3A_20 : memref<128xi32, #tpu.memory_space<hbm>>) target(%arg5 : memref<128xi32, #tpu.memory_space<vmem>>) target_semaphore(%run_scoped3A : memref<!tpu.dma_semaphore, #tpu.memory_space<semaphore_mem>>)
        %dma_wait3A_21 = tpu.memref_slice %arg3[%add3A_13] : memref<131072xi32, #tpu.memory_space<hbm>> -> memref<128xi32, #tpu.memory_space<hbm>>
        %dma_wait3A_22 = tpu.memref_slice %arg3[%add3A_13] : memref<131072xi32, #tpu.memory_space<hbm>> -> memref<128xi32, #tpu.memory_space<hbm>>
        tpu.wait_dma2 semaphore(%run_scoped3A : memref<!tpu.dma_semaphore, #tpu.memory_space<semaphore_mem>>) src(%dma_wait3A_22 : memref<128xi32, #tpu.memory_space<hbm>>) dst(%arg5 : memref<128xi32, #tpu.memory_space<vmem>>)
        tpu.yield
      }) : () -> ()
      %dma_start3A = arith.constant 0 : i32
      %dma_start3A_14 = arith.constant 0 : i32
      %dma_start3A_15 = tpu.memref_slice %arg2[%dma_start3A, %dma_start3A_14] : memref<8192x128xf32, #tpu.memory_space<hbm>> -> memref<8192x128xf32, #tpu.memory_space<hbm>>
      tpu.enqueue_indirect_dma source(%dma_start3A_15 : memref<8192x128xf32, #tpu.memory_space<hbm>>) target(%arg6 : memref<128x128xf32, #tpu.memory_space<vmem>>) offsets(%arg5 : memref<128xi32, #tpu.memory_space<vmem>>) semaphore(%arg7 : memref<!tpu.dma_semaphore, #tpu.memory_space<semaphore_mem>>)
      %dma_wait3A = arith.constant 0 : i32
      %dma_wait3A_16 = arith.constant 0 : i32
      %dma_wait3A_17 = tpu.memref_slice %arg2[%dma_wait3A, %dma_wait3A_16] : memref<8192x128xf32, #tpu.memory_space<hbm>> -> memref<8192x128xf32, #tpu.memory_space<hbm>>
      tpu.wait_indirect_dma semaphore(%arg7 : memref<!tpu.dma_semaphore, #tpu.memory_space<semaphore_mem>>) src(%dma_wait3A_17 : memref<8192x128xf32, #tpu.memory_space<hbm>>) dst(%arg6 : memref<128x128xf32, #tpu.memory_space<vmem>>)
      "tpu.region"() ({
        %run_scoped3A = tpu.sem_alloc : memref<!tpu.dma_semaphore, #tpu.memory_space<semaphore_mem>>
        %dma_start3A_19 = arith.constant 0 : i32
        %dma_start3A_20 = tpu.memref_slice %arg4[%add3A_13, %dma_start3A_19] : memref<131072x128xf32, #tpu.memory_space<hbm>> -> memref<128x128xf32, #tpu.memory_space<hbm>>
        %dma_start3A_21 = arith.constant 0 : i32
        %dma_start3A_22 = tpu.memref_slice %arg4[%add3A_13, %dma_start3A_21] : memref<131072x128xf32, #tpu.memory_space<hbm>> -> memref<128x128xf32, #tpu.memory_space<hbm>>
        tpu.enqueue_dma source(%arg6 : memref<128x128xf32, #tpu.memory_space<vmem>>) target(%dma_start3A_22 : memref<128x128xf32, #tpu.memory_space<hbm>>) target_semaphore(%run_scoped3A : memref<!tpu.dma_semaphore, #tpu.memory_space<semaphore_mem>>)
        %dma_wait3A_23 = arith.constant 0 : i32
        %dma_wait3A_24 = tpu.memref_slice %arg4[%add3A_13, %dma_wait3A_23] : memref<131072x128xf32, #tpu.memory_space<hbm>> -> memref<128x128xf32, #tpu.memory_space<hbm>>
        %dma_wait3A_25 = arith.constant 0 : i32
        %dma_wait3A_26 = tpu.memref_slice %arg4[%add3A_13, %dma_wait3A_25] : memref<131072x128xf32, #tpu.memory_space<hbm>> -> memref<128x128xf32, #tpu.memory_space<hbm>>
        tpu.wait_dma2 semaphore(%run_scoped3A : memref<!tpu.dma_semaphore, #tpu.memory_space<semaphore_mem>>) src(%arg6 : memref<128x128xf32, #tpu.memory_space<vmem>>) dst(%dma_wait3A_26 : memref<128x128xf32, #tpu.memory_space<hbm>>)
        tpu.yield
      }) : () -> ()
      %scan3A_18 = arith.constant 0 : i32
      scf.yield %scan3A_18 : i32
    }
    %scan3A_8 = arith.constant 32 : i32
    return
  }
}

#map = affine_map<(d0, d1) -> (0, 0)>
#map1 = affine_map<(d0, d1) -> (0)>
module attributes {stable_mosaic.version = 14 : i64} {
  func.func @gat(%arg0: i32, %arg1: i32, %arg2: memref<8192x128xf32, #tpu.memory_space<hbm>>, %arg3: memref<131072xi32, #tpu.memory_space<hbm>>, %arg4: memref<131072x128xf32, #tpu.memory_space<hbm>>, %arg5: memref<128xi32, #tpu.memory_space<vmem>>, %arg6: memref<128x128xf32, #tpu.memory_space<vmem>>, %arg7: memref<!tpu.dma_semaphore, #tpu.memory_space<semaphore_mem>>) attributes {dimension_semantics = [#tpu.dimension_semantics<core_parallel>, #tpu.dimension_semantics<subcore_parallel>], iteration_bounds = array<i64: 2, 16>, scalar_prefetch = 0 : i64, scratch_operands = 3 : i64, tpu.core_type = #tpu.core_type<sc_vector_subcore>, window_params = [{transform_indices = #map}, {transform_indices = #map1}, {transform_indices = #map}]} {
    %mul3A = arith.constant 2 : i32
    %mul3A_0 = arith.muli %arg1, %mul3A : i32
    %add3A = arith.addi %mul3A_0, %arg0 : i32
    %mul3A_1 = arith.constant 4096 : i32
    %mul3A_2 = arith.muli %add3A, %mul3A_1 : i32
    %scan3A = arith.constant 0 : i32
    %scan3A_3 = arith.constant 0 : i32
    %scan3A_4 = arith.constant 32 : i32
    %scan3A_5 = arith.addi %scan3A_3, %scan3A_4 : i32
    %scan3A_6 = arith.constant 1 : i32
    %scan3A_7 = scf.for %scan3A_9 = %scan3A_3 to %scan3A_5 step %scan3A_6 iter_args(%scan3A_10 = %scan3A) -> (i32)  : i32 {
      %mul3A_11 = arith.constant 128 : i32
      %mul3A_12 = arith.muli %scan3A_9, %mul3A_11 : i32
      %add3A_13 = arith.addi %mul3A_2, %mul3A_12 : i32
      "tpu.region"() ({
        %run_scoped3A = tpu.sem_alloc : memref<!tpu.dma_semaphore, #tpu.memory_space<semaphore_mem>>
        %dma_start3A_19 = tpu.memref_slice %arg3[%add3A_13] : memref<131072xi32, #tpu.memory_space<hbm>> -> memref<128xi32, #tpu.memory_space<hbm>>
        %dma_start3A_20 = tpu.memref_slice %arg3[%add3A_13] : memref<131072xi32, #tpu.memory_space<hbm>> -> memref<128xi32, #tpu.memory_space<hbm>>
        tpu.enqueue_dma source(%dma_start3A_20 : memref<128xi32, #tpu.memory_space<hbm>>) target(%arg5 : memref<128xi32, #tpu.memory_space<vmem>>) target_semaphore(%run_scoped3A : memref<!tpu.dma_semaphore, #tpu.memory_space<semaphore_mem>>)
        %dma_wait3A_21 = tpu.memref_slice %arg3[%add3A_13] : memref<131072xi32, #tpu.memory_space<hbm>> -> memref<128xi32, #tpu.memory_space<hbm>>
        %dma_wait3A_22 = tpu.memref_slice %arg3[%add3A_13] : memref<131072xi32, #tpu.memory_space<hbm>> -> memref<128xi32, #tpu.memory_space<hbm>>
        tpu.wait_dma2 semaphore(%run_scoped3A : memref<!tpu.dma_semaphore, #tpu.memory_space<semaphore_mem>>) src(%dma_wait3A_22 : memref<128xi32, #tpu.memory_space<hbm>>) dst(%arg5 : memref<128xi32, #tpu.memory_space<vmem>>)
        tpu.yield
      }) : () -> ()
      %dma_start3A = arith.constant 0 : i32
      %dma_start3A_14 = arith.constant 0 : i32
      %dma_start3A_15 = tpu.memref_slice %arg2[%dma_start3A, %dma_start3A_14] : memref<8192x128xf32, #tpu.memory_space<hbm>> -> memref<8192x128xf32, #tpu.memory_space<hbm>>
      tpu.enqueue_indirect_dma source(%dma_start3A_15 : memref<8192x128xf32, #tpu.memory_space<hbm>>) target(%arg6 : memref<128x128xf32, #tpu.memory_space<vmem>>) offsets(%arg5 : memref<128xi32, #tpu.memory_space<vmem>>) semaphore(%arg7 : memref<!tpu.dma_semaphore, #tpu.memory_space<semaphore_mem>>)
      %dma_wait3A = arith.constant 0 : i32
      %dma_wait3A_16 = arith.constant 0 : i32
      %dma_wait3A_17 = tpu.memref_slice %arg2[%dma_wait3A, %dma_wait3A_16] : memref<8192x128xf32, #tpu.memory_space<hbm>> -> memref<8192x128xf32, #tpu.memory_space<hbm>>
      tpu.wait_indirect_dma semaphore(%arg7 : memref<!tpu.dma_semaphore, #tpu.memory_space<semaphore_mem>>) src(%dma_wait3A_17 : memref<8192x128xf32, #tpu.memory_space<hbm>>) dst(%arg6 : memref<128x128xf32, #tpu.memory_space<vmem>>)
      "tpu.region"() ({
        %run_scoped3A = tpu.sem_alloc : memref<!tpu.dma_semaphore, #tpu.memory_space<semaphore_mem>>
        %dma_start3A_19 = arith.constant 0 : i32
        %dma_start3A_20 = tpu.memref_slice %arg4[%add3A_13, %dma_start3A_19] : memref<131072x128xf32, #tpu.memory_space<hbm>> -> memref<128x128xf32, #tpu.memory_space<hbm>>
        %dma_start3A_21 = arith.constant 0 : i32
        %dma_start3A_22 = tpu.memref_slice %arg4[%add3A_13, %dma_start3A_21] : memref<131072x128xf32, #tpu.memory_space<hbm>> -> memref<128x128xf32, #tpu.memory_space<hbm>>
        tpu.enqueue_dma source(%arg6 : memref<128x128xf32, #tpu.memory_space<vmem>>) target(%dma_start3A_22 : memref<128x128xf32, #tpu.memory_space<hbm>>) target_semaphore(%run_scoped3A : memref<!tpu.dma_semaphore, #tpu.memory_space<semaphore_mem>>)
        %dma_wait3A_23 = arith.constant 0 : i32
        %dma_wait3A_24 = tpu.memref_slice %arg4[%add3A_13, %dma_wait3A_23] : memref<131072x128xf32, #tpu.memory_space<hbm>> -> memref<128x128xf32, #tpu.memory_space<hbm>>
        %dma_wait3A_25 = arith.constant 0 : i32
        %dma_wait3A_26 = tpu.memref_slice %arg4[%add3A_13, %dma_wait3A_25] : memref<131072x128xf32, #tpu.memory_space<hbm>> -> memref<128x128xf32, #tpu.memory_space<hbm>>
        tpu.wait_dma2 semaphore(%run_scoped3A : memref<!tpu.dma_semaphore, #tpu.memory_space<semaphore_mem>>) src(%arg6 : memref<128x128xf32, #tpu.memory_space<vmem>>) dst(%dma_wait3A_26 : memref<128x128xf32, #tpu.memory_space<hbm>>)
        tpu.yield
      }) : () -> ()
      %scan3A_18 = arith.constant 0 : i32
      scf.yield %scan3A_18 : i32
    }
    %scan3A_8 = arith.constant 32 : i32
    return
  }
}

module attributes {stable_mosaic.version = 14 : i64} {
  func.func @_knn_kernel(%arg0: i32, %arg1: i32, %arg2: memref<1x256x3xf32, #tpu.memory_space<vmem>>, %arg3: memref<1x3x4096xf32, #tpu.memory_space<vmem>>, %arg4: memref<1x256x128xf32, #tpu.memory_space<vmem>>, %arg5: memref<128x64xf32, #tpu.memory_space<vmem>>, %arg6: memref<1x64xf32, #tpu.memory_space<vmem>>, %arg7: memref<1x256x16xi32, #tpu.memory_space<vmem>>, %arg8: memref<1x256x64xf32, #tpu.memory_space<vmem>>) attributes {dimension_semantics = [#tpu.dimension_semantics<arbitrary>, #tpu.dimension_semantics<arbitrary>], iteration_bounds = array<i64: 2, 16>, scalar_prefetch = 0 : i64, scratch_operands = 0 : i64, tpu.core_type = #tpu.core_type<tc>, window_params = [{transform_indices = @transform_0, window_bounds = array<i64: 1, 256, 3>}, {transform_indices = @transform_1, window_bounds = array<i64: 1, 3, 4096>}, {transform_indices = @transform_2, window_bounds = array<i64: 1, 256, 128>}, {pipeline_mode = #tpu.pipeline_mode<synchronous>, transform_indices = @transform_3, window_bounds = array<i64: 128, 64>}, {pipeline_mode = #tpu.pipeline_mode<synchronous>, transform_indices = @transform_4, window_bounds = array<i64: 1, 64>}, {transform_indices = @transform_5, window_bounds = array<i64: 1, 256, 16>}, {transform_indices = @transform_6, window_bounds = array<i64: 1, 256, 64>}]} {
    %get3A = arith.constant 0 : index
    %get3A_0 = arith.constant 0 : index
    %get3A_1 = arith.constant 0 : index
    %get3A_2 = vector.load %arg2[%get3A, %get3A_0, %get3A_1] : memref<1x256x3xf32, #tpu.memory_space<vmem>>, vector<1x256x3xf32>
    %get3A_3 = vector.shape_cast %get3A_2 : vector<1x256x3xf32> to vector<256x3xf32>
    %get3A_4 = arith.constant 0 : index
    %get3A_5 = arith.constant 0 : index
    %get3A_6 = arith.constant 0 : index
    %get3A_7 = vector.load %arg3[%get3A_4, %get3A_5, %get3A_6] : memref<1x3x4096xf32, #tpu.memory_space<vmem>>, vector<1x3x4096xf32>
    %get3A_8 = vector.shape_cast %get3A_7 : vector<1x3x4096xf32> to vector<3x4096xf32>
    %convert_element_type3A = arith.truncf %get3A_3 : vector<256x3xf32> to vector<256x3xbf16>
    %convert_element_type3A_9 = arith.truncf %get3A_8 : vector<3x4096xf32> to vector<3x4096xbf16>
    %dot_general3A = arith.constant dense<0.000000e+00> : vector<256x4096xf32>
    %dot_general3A_10 = tpu.matmul %convert_element_type3A, %convert_element_type3A_9, %dot_general3A {dimension_numbers = #tpu.dot_dimension_numbers<[1], [0], [0], [1], [0, 0, 1, 1], [], []>, transpose_lhs_hint = false} : vector<256x3xbf16>, vector<3x4096xbf16>, vector<256x4096xf32> -> vector<256x4096xf32>
    %slice3A = vector.extract_strided_slice %get3A_3 {offsets = [0, 0], sizes = [256, 1], strides = [1, 1]} : vector<256x3xf32> to vector<256x1xf32>
    %slice3A_11 = vector.extract_strided_slice %get3A_3 {offsets = [0, 0], sizes = [256, 1], strides = [1, 1]} : vector<256x3xf32> to vector<256x1xf32>
    %mul3A = arith.mulf %slice3A, %slice3A_11 : vector<256x1xf32>
    %slice3A_12 = vector.extract_strided_slice %get3A_3 {offsets = [0, 1], sizes = [256, 1], strides = [1, 1]} : vector<256x3xf32> to vector<256x1xf32>
    %slice3A_13 = vector.extract_strided_slice %get3A_3 {offsets = [0, 1], sizes = [256, 1], strides = [1, 1]} : vector<256x3xf32> to vector<256x1xf32>
    %mul3A_14 = arith.mulf %slice3A_12, %slice3A_13 : vector<256x1xf32>
    %add3A = arith.addf %mul3A, %mul3A_14 : vector<256x1xf32>
    %slice3A_15 = vector.extract_strided_slice %get3A_3 {offsets = [0, 2], sizes = [256, 1], strides = [1, 1]} : vector<256x3xf32> to vector<256x1xf32>
    %slice3A_16 = vector.extract_strided_slice %get3A_3 {offsets = [0, 2], sizes = [256, 1], strides = [1, 1]} : vector<256x3xf32> to vector<256x1xf32>
    %mul3A_17 = arith.mulf %slice3A_15, %slice3A_16 : vector<256x1xf32>
    %add3A_18 = arith.addf %add3A, %mul3A_17 : vector<256x1xf32>
    %slice3A_19 = vector.extract_strided_slice %get3A_8 {offsets = [0, 0], sizes = [1, 4096], strides = [1, 1]} : vector<3x4096xf32> to vector<1x4096xf32>
    %slice3A_20 = vector.extract_strided_slice %get3A_8 {offsets = [0, 0], sizes = [1, 4096], strides = [1, 1]} : vector<3x4096xf32> to vector<1x4096xf32>
    %mul3A_21 = arith.mulf %slice3A_19, %slice3A_20 : vector<1x4096xf32>
    %slice3A_22 = vector.extract_strided_slice %get3A_8 {offsets = [1, 0], sizes = [1, 4096], strides = [1, 1]} : vector<3x4096xf32> to vector<1x4096xf32>
    %slice3A_23 = vector.extract_strided_slice %get3A_8 {offsets = [1, 0], sizes = [1, 4096], strides = [1, 1]} : vector<3x4096xf32> to vector<1x4096xf32>
    %mul3A_24 = arith.mulf %slice3A_22, %slice3A_23 : vector<1x4096xf32>
    %add3A_25 = arith.addf %mul3A_21, %mul3A_24 : vector<1x4096xf32>
    %slice3A_26 = vector.extract_strided_slice %get3A_8 {offsets = [2, 0], sizes = [1, 4096], strides = [1, 1]} : vector<3x4096xf32> to vector<1x4096xf32>
    %slice3A_27 = vector.extract_strided_slice %get3A_8 {offsets = [2, 0], sizes = [1, 4096], strides = [1, 1]} : vector<3x4096xf32> to vector<1x4096xf32>
    %mul3A_28 = arith.mulf %slice3A_26, %slice3A_27 : vector<1x4096xf32>
    %add3A_29 = arith.addf %add3A_25, %mul3A_28 : vector<1x4096xf32>
    %mul3A_30 = arith.constant -2.000000e+00 : f32
    %mul3A_31 = vector.broadcast %mul3A_30 : f32 to vector<256x4096xf32>
    %mul3A_32 = arith.mulf %mul3A_31, %dot_general3A_10 : vector<256x4096xf32>
    %add3A_33 = vector.broadcast %add3A_18 : vector<256x1xf32> to vector<256x4096xf32>
    %add3A_34 = arith.addf %mul3A_32, %add3A_33 : vector<256x4096xf32>
    %add3A_35 = vector.broadcast %add3A_29 : vector<1x4096xf32> to vector<256x4096xf32>
    %add3A_36 = arith.addf %add3A_34, %add3A_35 : vector<256x4096xf32>
    %iota3A = tpu.iota {dimensions = array<i32: 1>} : vector<256x4096xi32>
    %iota3A_37 = tpu.iota {dimensions = array<i32: 1>} : vector<256x16xi32>
    %broadcast_in_dim3A = arith.constant 0 : i32
    %broadcast_in_dim3A_38 = vector.broadcast %broadcast_in_dim3A : i32 to vector<256x16xi32>
    %scan3A = arith.constant 0x7F800000 : f32
    %scan3A_39 = arith.constant 0 : i32
    %scan3A_40 = arith.constant 16 : i32
    %scan3A_41 = arith.addi %scan3A_39, %scan3A_40 : i32
    %scan3A_42 = arith.constant 1 : i32
    %scan3A_43:2 = scf.for %scan3A_71 = %scan3A_39 to %scan3A_41 step %scan3A_42 iter_args(%scan3A_72 = %add3A_36, %scan3A_73 = %broadcast_in_dim3A_38) -> (vector<256x4096xf32>, vector<256x16xi32>)  : i32 {
      %reduce_min3A = arith.constant dense<0x7F800000> : vector<256xf32>
      %reduce_min3A_74 = vector.multi_reduction <minimumf>, %scan3A_72, %reduce_min3A [1] : vector<256x4096xf32> to vector<256xf32>
      %broadcast_in_dim3A_75 = vector.shape_cast %reduce_min3A_74 : vector<256xf32> to vector<256x1xf32>
      %eq3A = vector.broadcast %broadcast_in_dim3A_75 : vector<256x1xf32> to vector<256x4096xf32>
      %eq3A_76 = arith.cmpf oeq, %scan3A_72, %eq3A : vector<256x4096xf32>
      %jit3A = arith.constant 4096 : i32
      %broadcast_in_dim3A_77 = vector.broadcast %jit3A : i32 to vector<256x4096xi32>
      %select_n3A = arith.select %eq3A_76, %iota3A, %broadcast_in_dim3A_77 : vector<256x4096xi1>, vector<256x4096xi32>
      %reduce_min3A_78 = arith.constant dense<2147483647> : vector<256xi32>
      %reduce_min3A_79 = vector.multi_reduction <minsi>, %select_n3A, %reduce_min3A_78 [1] : vector<256x4096xi32> to vector<256xi32>
      %broadcast_in_dim3A_80 = vector.shape_cast %reduce_min3A_79 : vector<256xi32> to vector<256x1xi32>
      %eq3A_81 = vector.broadcast %scan3A_71 : i32 to vector<256x16xi32>
      %eq3A_82 = arith.cmpi eq, %iota3A_37, %eq3A_81 : vector<256x16xi32>
      %mul3A_83 = arith.constant 4096 : i32
      %mul3A_84 = arith.muli %arg0, %mul3A_83 : i32
      %add3A_85 = vector.broadcast %mul3A_84 : i32 to vector<256x1xi32>
      %add3A_86 = arith.addi %broadcast_in_dim3A_80, %add3A_85 : vector<256x1xi32>
      %broadcast_in_dim3A_87 = vector.shape_cast %add3A_86 : vector<256x1xi32> to vector<256x1xi32>
      %broadcast_in_dim3A_88 = vector.broadcast %broadcast_in_dim3A_87 : vector<256x1xi32> to vector<256x16xi32>
      %select_n3A_89 = arith.select %eq3A_82, %broadcast_in_dim3A_88, %scan3A_73 : vector<256x16xi1>, vector<256x16xi32>
      %eq3A_90 = vector.broadcast %broadcast_in_dim3A_80 : vector<256x1xi32> to vector<256x4096xi32>
      %eq3A_91 = arith.cmpi eq, %iota3A, %eq3A_90 : vector<256x4096xi32>
      %broadcast_in_dim3A_92 = vector.broadcast %scan3A : f32 to vector<256x4096xf32>
      %select_n3A_93 = arith.select %eq3A_91, %broadcast_in_dim3A_92, %scan3A_72 : vector<256x4096xi1>, vector<256x4096xf32>
      scf.yield %select_n3A_93, %select_n3A_89 : vector<256x4096xf32>, vector<256x16xi32>
    }
    %scan3A_44 = arith.constant 16 : i32
    %swap3A = arith.constant 0 : index
    %swap3A_45 = arith.constant 0 : index
    %swap3A_46 = arith.constant 0 : index
    %swap3A_47 = vector.load %arg7[%swap3A, %swap3A_45, %swap3A_46] : memref<1x256x16xi32, #tpu.memory_space<vmem>>, vector<1x256x16xi32>
    %swap3A_48 = vector.shape_cast %swap3A_47 : vector<1x256x16xi32> to vector<256x16xi32>
    %swap3A_49 = vector.shape_cast %scan3A_43#1 : vector<256x16xi32> to vector<1x256x16xi32>
    tpu.vector_store %arg7[%swap3A, %swap3A_45, %swap3A_46], %swap3A_49 {strides = array<i32>} : memref<1x256x16xi32, #tpu.memory_space<vmem>>, vector<1x256x16xi32>,
    %get3A_50 = arith.constant 0 : index
    %get3A_51 = arith.constant 0 : index
    %get3A_52 = arith.constant 0 : index
    %get3A_53 = vector.load %arg4[%get3A_50, %get3A_51, %get3A_52] : memref<1x256x128xf32, #tpu.memory_space<vmem>>, vector<1x256x128xf32>
    %get3A_54 = vector.shape_cast %get3A_53 : vector<1x256x128xf32> to vector<256x128xf32>
    %get3A_55 = arith.constant 0 : index
    %get3A_56 = arith.constant 0 : index
    %get3A_57 = vector.load %arg5[%get3A_55, %get3A_56] : memref<128x64xf32, #tpu.memory_space<vmem>>, vector<128x64xf32>
    %dot_general3A_58 = arith.constant dense<0.000000e+00> : vector<256x64xf32>
    %dot_general3A_59 = tpu.matmul %get3A_54, %get3A_57, %dot_general3A_58 {dimension_numbers = #tpu.dot_dimension_numbers<[1], [0], [0], [1], [0, 0, 1, 1], [], []>, precision = #tpu.contract_precision<fp32>, transpose_lhs_hint = false} : vector<256x128xf32>, vector<128x64xf32>, vector<256x64xf32> -> vector<256x64xf32>
    %get3A_60 = arith.constant 0 : index
    %get3A_61 = arith.constant 0 : index
    %get3A_62 = vector.load %arg6[%get3A_60, %get3A_61] : memref<1x64xf32, #tpu.memory_space<vmem>>, vector<1x64xf32>
    %add3A_63 = vector.broadcast %get3A_62 : vector<1x64xf32> to vector<256x64xf32>
    %add3A_64 = arith.addf %dot_general3A_59, %add3A_63 : vector<256x64xf32>
    %swap3A_65 = arith.constant 0 : index
    %swap3A_66 = arith.constant 0 : index
    %swap3A_67 = arith.constant 0 : index
    %swap3A_68 = vector.load %arg8[%swap3A_65, %swap3A_66, %swap3A_67] : memref<1x256x64xf32, #tpu.memory_space<vmem>>, vector<1x256x64xf32>
    %swap3A_69 = vector.shape_cast %swap3A_68 : vector<1x256x64xf32> to vector<256x64xf32>
    %swap3A_70 = vector.shape_cast %add3A_64 : vector<256x64xf32> to vector<1x256x64xf32>
    tpu.vector_store %arg8[%swap3A_65, %swap3A_66, %swap3A_67], %swap3A_70 {strides = array<i32>} : memref<1x256x64xf32, #tpu.memory_space<vmem>>, vector<1x256x64xf32>,
    return
  }
  func.func @transform_0(%arg0: i32, %arg1: i32) -> (i32, i32, i32) {
    %c0_i32 = arith.constant 0 : i32
    %c0_i32_0 = arith.constant 0 : i32
    return %arg0, %arg1, %c0_i32 : i32, i32, i32
  }
  func.func @transform_1(%arg0: i32, %arg1: i32) -> (i32, i32, i32) {
    %c0_i32 = arith.constant 0 : i32
    %c0_i32_0 = arith.constant 0 : i32
    %c0_i32_1 = arith.constant 0 : i32
    return %arg0, %c0_i32, %c0_i32_0 : i32, i32, i32
  }
  func.func @transform_2(%arg0: i32, %arg1: i32) -> (i32, i32, i32) {
    %c0_i32 = arith.constant 0 : i32
    %c0_i32_0 = arith.constant 0 : i32
    return %arg0, %arg1, %c0_i32 : i32, i32, i32
  }
  func.func @transform_3(%arg0: i32, %arg1: i32) -> (i32, i32) {
    %c0_i32 = arith.constant 0 : i32
    %c0_i32_0 = arith.constant 0 : i32
    %c0_i32_1 = arith.constant 0 : i32
    return %c0_i32, %c0_i32_0 : i32, i32
  }
  func.func @transform_4(%arg0: i32, %arg1: i32) -> (i32, i32) {
    %c0_i32 = arith.constant 0 : i32
    %c0_i32_0 = arith.constant 0 : i32
    %c0_i32_1 = arith.constant 0 : i32
    return %c0_i32, %c0_i32_0 : i32, i32
  }
  func.func @transform_5(%arg0: i32, %arg1: i32) -> (i32, i32, i32) {
    %c0_i32 = arith.constant 0 : i32
    %c0_i32_0 = arith.constant 0 : i32
    return %arg0, %arg1, %c0_i32 : i32, i32, i32
  }
  func.func @transform_6(%arg0: i32, %arg1: i32) -> (i32, i32, i32) {
    %c0_i32 = arith.constant 0 : i32
    %c0_i32_0 = arith.constant 0 : i32
    return %arg0, %arg1, %c0_i32 : i32, i32, i32
  }
}

module attributes {stable_mosaic.version = 14 : i64} {
  func.func @_kv_kernel(%arg0: i32, %arg1: memref<1x4096x128xf32, #tpu.memory_space<vmem>>, %arg2: memref<1x4096x3xf32, #tpu.memory_space<vmem>>, %arg3: memref<128x192xf32, #tpu.memory_space<vmem>>, %arg4: memref<1x192xf32, #tpu.memory_space<vmem>>, %arg5: memref<1x4096x128xf32, #tpu.memory_space<vmem>>, %arg6: memref<1x4096x128xf32, #tpu.memory_space<vmem>>) attributes {dimension_semantics = [#tpu.dimension_semantics<arbitrary>], iteration_bounds = array<i64: 2>, scalar_prefetch = 0 : i64, scratch_operands = 0 : i64, tpu.core_type = #tpu.core_type<tc>, window_params = [{transform_indices = @transform_0, window_bounds = array<i64: 1, 4096, 128>}, {transform_indices = @transform_1, window_bounds = array<i64: 1, 4096, 3>}, {pipeline_mode = #tpu.pipeline_mode<synchronous>, transform_indices = @transform_2, window_bounds = array<i64: 128, 192>}, {pipeline_mode = #tpu.pipeline_mode<synchronous>, transform_indices = @transform_3, window_bounds = array<i64: 1, 192>}, {transform_indices = @transform_4, window_bounds = array<i64: 1, 4096, 128>}, {transform_indices = @transform_5, window_bounds = array<i64: 1, 4096, 128>}]} {
    %get3A = arith.constant 0 : index
    %get3A_0 = arith.constant 0 : index
    %get3A_1 = arith.constant 0 : index
    %get3A_2 = vector.load %arg1[%get3A, %get3A_0, %get3A_1] : memref<1x4096x128xf32, #tpu.memory_space<vmem>>, vector<1x4096x128xf32>
    %get3A_3 = vector.shape_cast %get3A_2 : vector<1x4096x128xf32> to vector<4096x128xf32>
    %get3A_4 = arith.constant 0 : index
    %get3A_5 = arith.constant 0 : index
    %get3A_6 = vector.load %arg3[%get3A_4, %get3A_5] : memref<128x192xf32, #tpu.memory_space<vmem>>, vector<128x192xf32>
    %dot_general3A = arith.constant dense<0.000000e+00> : vector<4096x192xf32>
    %dot_general3A_7 = tpu.matmul %get3A_3, %get3A_6, %dot_general3A {dimension_numbers = #tpu.dot_dimension_numbers<[1], [0], [0], [1], [0, 0, 1, 1], [], []>, precision = #tpu.contract_precision<fp32>, transpose_lhs_hint = false} : vector<4096x128xf32>, vector<128x192xf32>, vector<4096x192xf32> -> vector<4096x192xf32>
    %get3A_8 = arith.constant 0 : index
    %get3A_9 = arith.constant 0 : index
    %get3A_10 = vector.load %arg4[%get3A_8, %get3A_9] : memref<1x192xf32, #tpu.memory_space<vmem>>, vector<1x192xf32>
    %add3A = vector.broadcast %get3A_10 : vector<1x192xf32> to vector<4096x192xf32>
    %add3A_11 = arith.addf %dot_general3A_7, %add3A : vector<4096x192xf32>
    %slice3A = vector.extract_strided_slice %add3A_11 {offsets = [0, 0], sizes = [4096, 128], strides = [1, 1]} : vector<4096x192xf32> to vector<4096x128xf32>
    %swap3A = arith.constant 0 : index
    %swap3A_12 = arith.constant 0 : index
    %swap3A_13 = arith.constant 0 : index
    %swap3A_14 = vector.load %arg5[%swap3A, %swap3A_12, %swap3A_13] : memref<1x4096x128xf32, #tpu.memory_space<vmem>>, vector<1x4096x128xf32>
    %swap3A_15 = vector.shape_cast %swap3A_14 : vector<1x4096x128xf32> to vector<4096x128xf32>
    %swap3A_16 = vector.shape_cast %slice3A : vector<4096x128xf32> to vector<1x4096x128xf32>
    tpu.vector_store %arg5[%swap3A, %swap3A_12, %swap3A_13], %swap3A_16 {strides = array<i32>} : memref<1x4096x128xf32, #tpu.memory_space<vmem>>, vector<1x4096x128xf32>,
    %slice3A_17 = vector.extract_strided_slice %add3A_11 {offsets = [0, 128], sizes = [4096, 64], strides = [1, 1]} : vector<4096x192xf32> to vector<4096x64xf32>
    %get3A_18 = arith.constant 0 : index
    %get3A_19 = arith.constant 0 : index
    %get3A_20 = arith.constant 0 : index
    %get3A_21 = vector.load %arg2[%get3A_18, %get3A_19, %get3A_20] : memref<1x4096x3xf32, #tpu.memory_space<vmem>>, vector<1x4096x3xf32>
    %get3A_22 = vector.shape_cast %get3A_21 : vector<1x4096x3xf32> to vector<4096x3xf32>
    %broadcast_in_dim3A = arith.constant 0.000000e+00 : f32
    %broadcast_in_dim3A_23 = vector.broadcast %broadcast_in_dim3A : f32 to vector<4096x61xf32>
    %concatenate3A = tpu.concatenate %slice3A_17, %get3A_22, %broadcast_in_dim3A_23 in 1 : vector<4096x64xf32>, vector<4096x3xf32>, vector<4096x61xf32> -> vector<4096x128xf32>
    %swap3A_24 = arith.constant 0 : index
    %swap3A_25 = arith.constant 0 : index
    %swap3A_26 = arith.constant 0 : index
    %swap3A_27 = vector.load %arg6[%swap3A_24, %swap3A_25, %swap3A_26] : memref<1x4096x128xf32, #tpu.memory_space<vmem>>, vector<1x4096x128xf32>
    %swap3A_28 = vector.shape_cast %swap3A_27 : vector<1x4096x128xf32> to vector<4096x128xf32>
    %swap3A_29 = vector.shape_cast %concatenate3A : vector<4096x128xf32> to vector<1x4096x128xf32>
    tpu.vector_store %arg6[%swap3A_24, %swap3A_25, %swap3A_26], %swap3A_29 {strides = array<i32>} : memref<1x4096x128xf32, #tpu.memory_space<vmem>>, vector<1x4096x128xf32>,
    return
  }
  func.func @transform_0(%arg0: i32) -> (i32, i32, i32) {
    %c0_i32 = arith.constant 0 : i32
    %c0_i32_0 = arith.constant 0 : i32
    %c0_i32_1 = arith.constant 0 : i32
    return %arg0, %c0_i32, %c0_i32_0 : i32, i32, i32
  }
  func.func @transform_1(%arg0: i32) -> (i32, i32, i32) {
    %c0_i32 = arith.constant 0 : i32
    %c0_i32_0 = arith.constant 0 : i32
    %c0_i32_1 = arith.constant 0 : i32
    return %arg0, %c0_i32, %c0_i32_0 : i32, i32, i32
  }
  func.func @transform_2(%arg0: i32) -> (i32, i32) {
    %c0_i32 = arith.constant 0 : i32
    %c0_i32_0 = arith.constant 0 : i32
    %c0_i32_1 = arith.constant 0 : i32
    return %c0_i32, %c0_i32_0 : i32, i32
  }
  func.func @transform_3(%arg0: i32) -> (i32, i32) {
    %c0_i32 = arith.constant 0 : i32
    %c0_i32_0 = arith.constant 0 : i32
    %c0_i32_1 = arith.constant 0 : i32
    return %c0_i32, %c0_i32_0 : i32, i32
  }
  func.func @transform_4(%arg0: i32) -> (i32, i32, i32) {
    %c0_i32 = arith.constant 0 : i32
    %c0_i32_0 = arith.constant 0 : i32
    %c0_i32_1 = arith.constant 0 : i32
    return %arg0, %c0_i32, %c0_i32_0 : i32, i32, i32
  }
  func.func @transform_5(%arg0: i32) -> (i32, i32, i32) {
    %c0_i32 = arith.constant 0 : i32
    %c0_i32_0 = arith.constant 0 : i32
    %c0_i32_1 = arith.constant 0 : i32
    return %arg0, %c0_i32, %c0_i32_0 : i32, i32, i32
  }
}

module attributes {stable_mosaic.version = 14 : i64} {
  func.func @_pr_kernel(%arg0: i32, %arg1: memref<256x16x128xf32, #tpu.memory_space<vmem>>, %arg2: memref<256x3xf32, #tpu.memory_space<vmem>>, %arg3: memref<256x16x3xf32, #tpu.memory_space<vmem>>, %arg4: memref<8x8xf32, #tpu.memory_space<vmem>>, %arg5: memref<8x8xf32, #tpu.memory_space<vmem>>) attributes {dimension_semantics = [#tpu.dimension_semantics<arbitrary>], iteration_bounds = array<i64: 32>, scalar_prefetch = 0 : i64, scratch_operands = 1 : i64, tpu.core_type = #tpu.core_type<tc>, window_params = [{transform_indices = @transform_0, window_bounds = array<i64: 256, 16, 128>}, {transform_indices = @transform_1, window_bounds = array<i64: 256, 3>}, {transform_indices = @transform_2, window_bounds = array<i64: 256, 16, 3>}, {pipeline_mode = #tpu.pipeline_mode<synchronous>, transform_indices = @transform_3, window_bounds = array<i64: 8, 8>}]} {
    %eq3A = arith.constant 0 : i32
    %eq3A_0 = arith.cmpi eq, %arg0, %eq3A : i32
    %convert_element_type3A = arith.extui %eq3A_0 : i1 to i32
    %cond3A = arith.constant 0 : i32
    %cond3A_1 = arith.cmpi ne, %convert_element_type3A, %cond3A : i32
    scf.if %cond3A_1 {
      %broadcast_in_dim3A_34 = arith.constant 0.000000e+00 : f32
      %broadcast_in_dim3A_35 = vector.broadcast %broadcast_in_dim3A_34 : f32 to vector<8x8xf32>
      %swap3A_36 = arith.constant 0 : index
      %swap3A_37 = arith.constant 0 : index
      %swap3A_38 = vector.load %arg5[%swap3A_36, %swap3A_37] : memref<8x8xf32, #tpu.memory_space<vmem>>, vector<8x8xf32>
      tpu.vector_store %arg5[%swap3A_36, %swap3A_37], %broadcast_in_dim3A_35 {strides = array<i32>} : memref<8x8xf32, #tpu.memory_space<vmem>>, vector<8x8xf32>,
    } else {
    }
    %get3A = arith.constant 0 : index
    %get3A_2 = arith.constant 0 : index
    %get3A_3 = arith.constant 64 : index
    %get3A_4 = vector.load %arg1[%get3A, %get3A_2, %get3A_3] : memref<256x16x128xf32, #tpu.memory_space<vmem>>, vector<256x16x3xf32>
    %get3A_5 = arith.constant 0 : index
    %get3A_6 = arith.constant 0 : index
    %get3A_7 = vector.load %arg2[%get3A_5, %get3A_6] : memref<256x3xf32, #tpu.memory_space<vmem>>, vector<256x3xf32>
    %broadcast_in_dim3A = vector.shape_cast %get3A_7 : vector<256x3xf32> to vector<256x1x3xf32>
    %sub3A = vector.broadcast %broadcast_in_dim3A : vector<256x1x3xf32> to vector<256x16x3xf32>
    %sub3A_8 = arith.subf %get3A_4, %sub3A : vector<256x16x3xf32>
    %swap3A = arith.constant 0 : index
    %swap3A_9 = arith.constant 0 : index
    %swap3A_10 = arith.constant 0 : index
    %swap3A_11 = vector.load %arg3[%swap3A, %swap3A_9, %swap3A_10] : memref<256x16x3xf32, #tpu.memory_space<vmem>>, vector<256x16x3xf32>
    tpu.vector_store %arg3[%swap3A, %swap3A_9, %swap3A_10], %sub3A_8 {strides = array<i32>} : memref<256x16x3xf32, #tpu.memory_space<vmem>>, vector<256x16x3xf32>,
    %reduce_sum3A = arith.constant dense<0.000000e+00> : vector<3xf32>
    %reduce_sum3A_12 = vector.multi_reduction <add>, %sub3A_8, %reduce_sum3A [0, 1] : vector<256x16x3xf32> to vector<3xf32>
    %reshape3A = vector.shape_cast %reduce_sum3A_12 : vector<3xf32> to vector<1x3xf32>
    %reshape3A_13 = vector.shape_cast %sub3A_8 : vector<256x16x3xf32> to vector<4096x3xf32>
    %dot_general3A = arith.constant dense<0.000000e+00> : vector<3x3xf32>
    %dot_general3A_14 = tpu.matmul %reshape3A_13, %reshape3A_13, %dot_general3A {dimension_numbers = #tpu.dot_dimension_numbers<[0], [0], [1], [1], [0, 1, 1, 1], [], []>, precision = #tpu.contract_precision<fp32>, transpose_lhs_hint = false} : vector<4096x3xf32>, vector<4096x3xf32>, vector<3x3xf32> -> vector<3x3xf32>
    %broadcast_in_dim3A_15 = arith.constant 0.000000e+00 : f32
    %broadcast_in_dim3A_16 = vector.broadcast %broadcast_in_dim3A_15 : f32 to vector<1x5xf32>
    %get3A_17 = arith.constant 0 : index
    %get3A_18 = arith.constant 0 : index
    %get3A_19 = vector.load %arg5[%get3A_17, %get3A_18] : memref<8x8xf32, #tpu.memory_space<vmem>>, vector<8x8xf32>
    %concatenate3A = tpu.concatenate %reshape3A, %broadcast_in_dim3A_16 in 1 : vector<1x3xf32>, vector<1x5xf32> -> vector<1x8xf32>
    %broadcast_in_dim3A_20 = arith.constant 0.000000e+00 : f32
    %broadcast_in_dim3A_21 = vector.broadcast %broadcast_in_dim3A_20 : f32 to vector<3x5xf32>
    %concatenate3A_22 = tpu.concatenate %dot_general3A_14, %broadcast_in_dim3A_21 in 1 : vector<3x3xf32>, vector<3x5xf32> -> vector<3x8xf32>
    %broadcast_in_dim3A_23 = arith.constant 0.000000e+00 : f32
    %broadcast_in_dim3A_24 = vector.broadcast %broadcast_in_dim3A_23 : f32 to vector<4x8xf32>
    %concatenate3A_25 = tpu.concatenate %concatenate3A, %concatenate3A_22, %broadcast_in_dim3A_24 in 0 : vector<1x8xf32>, vector<3x8xf32>, vector<4x8xf32> -> vector<8x8xf32>
    %add3A = arith.addf %get3A_19, %concatenate3A_25 : vector<8x8xf32>
    %swap3A_26 = arith.constant 0 : index
    %swap3A_27 = arith.constant 0 : index
    %swap3A_28 = vector.load %arg5[%swap3A_26, %swap3A_27] : memref<8x8xf32, #tpu.memory_space<vmem>>, vector<8x8xf32>
    tpu.vector_store %arg5[%swap3A_26, %swap3A_27], %add3A {strides = array<i32>} : memref<8x8xf32, #tpu.memory_space<vmem>>, vector<8x8xf32>,
    %eq3A_29 = arith.constant 31 : i32
    %eq3A_30 = arith.cmpi eq, %arg0, %eq3A_29 : i32
    %convert_element_type3A_31 = arith.extui %eq3A_30 : i1 to i32
    %cond3A_32 = arith.constant 0 : i32
    %cond3A_33 = arith.cmpi ne, %convert_element_type3A_31, %cond3A_32 : i32
    scf.if %cond3A_33 {
      %get3A_34 = arith.constant 0 : index
      %get3A_35 = arith.constant 0 : index
      %get3A_36 = vector.load %arg5[%get3A_34, %get3A_35] : memref<8x8xf32, #tpu.memory_space<vmem>>, vector<8x8xf32>
      %swap3A_37 = arith.constant 0 : index
      %swap3A_38 = arith.constant 0 : index
      %swap3A_39 = vector.load %arg4[%swap3A_37, %swap3A_38] : memref<8x8xf32, #tpu.memory_space<vmem>>, vector<8x8xf32>
      tpu.vector_store %arg4[%swap3A_37, %swap3A_38], %get3A_36 {strides = array<i32>} : memref<8x8xf32, #tpu.memory_space<vmem>>, vector<8x8xf32>,
    } else {
    }
    return
  }
  func.func @transform_0(%arg0: i32) -> (i32, i32, i32) {
    %c0_i32 = arith.constant 0 : i32
    %c0_i32_0 = arith.constant 0 : i32
    %c0_i32_1 = arith.constant 0 : i32
    return %arg0, %c0_i32, %c0_i32_0 : i32, i32, i32
  }
  func.func @transform_1(%arg0: i32) -> (i32, i32) {
    %c0_i32 = arith.constant 0 : i32
    %c0_i32_0 = arith.constant 0 : i32
    return %arg0, %c0_i32 : i32, i32
  }
  func.func @transform_2(%arg0: i32) -> (i32, i32, i32) {
    %c0_i32 = arith.constant 0 : i32
    %c0_i32_0 = arith.constant 0 : i32
    %c0_i32_1 = arith.constant 0 : i32
    return %arg0, %c0_i32, %c0_i32_0 : i32, i32, i32
  }
  func.func @transform_3(%arg0: i32) -> (i32, i32) {
    %c0_i32 = arith.constant 0 : i32
    %c0_i32_0 = arith.constant 0 : i32
    %c0_i32_1 = arith.constant 0 : i32
    return %c0_i32, %c0_i32_0 : i32, i32
  }
}

module attributes {stable_mosaic.version = 14 : i64} {
  func.func @_bn2_kernel(%arg0: i32, %arg1: memref<256x16x128xf32, #tpu.memory_space<vmem>>, %arg2: memref<256x64xf32, #tpu.memory_space<vmem>>, %arg3: memref<256x16x3xf32, #tpu.memory_space<vmem>>, %arg4: memref<8x8xf32, #tpu.memory_space<vmem>>, %arg5: memref<3x3xf32, #tpu.memory_space<vmem>>, %arg6: memref<1x3xf32, #tpu.memory_space<vmem>>, %arg7: memref<1x3xf32, #tpu.memory_space<vmem>>, %arg8: memref<1x3xf32, #tpu.memory_space<vmem>>, %arg9: memref<3x128xf32, #tpu.memory_space<vmem>>, %arg10: memref<1x128xf32, #tpu.memory_space<vmem>>, %arg11: memref<256x16x64xf32, #tpu.memory_space<vmem>>, %arg12: memref<8x64xf32, #tpu.memory_space<vmem>>, %arg13: memref<1x64xf32, #tpu.memory_space<vmem>>, %arg14: memref<1x64xf32, #tpu.memory_space<vmem>>) attributes {dimension_semantics = [#tpu.dimension_semantics<arbitrary>], iteration_bounds = array<i64: 32>, scalar_prefetch = 0 : i64, scratch_operands = 2 : i64, tpu.core_type = #tpu.core_type<tc>, window_params = [{transform_indices = @transform_0, window_bounds = array<i64: 256, 16, 128>}, {transform_indices = @transform_1, window_bounds = array<i64: 256, 64>}, {transform_indices = @transform_2, window_bounds = array<i64: 256, 16, 3>}, {pipeline_mode = #tpu.pipeline_mode<synchronous>, transform_indices = @transform_3, window_bounds = array<i64: 8, 8>}, {pipeline_mode = #tpu.pipeline_mode<synchronous>, transform_indices = @transform_4, window_bounds = array<i64: 3, 3>}, {pipeline_mode = #tpu.pipeline_mode<synchronous>, transform_indices = @transform_5, window_bounds = array<i64: 1, 3>}, {pipeline_mode = #tpu.pipeline_mode<synchronous>, transform_indices = @transform_6, window_bounds = array<i64: 1, 3>}, {pipeline_mode = #tpu.pipeline_mode<synchronous>, transform_indices = @transform_7, window_bounds = array<i64: 1, 3>}, {pipeline_mode = #tpu.pipeline_mode<synchronous>, transform_indices = @transform_8, window_bounds = array<i64: 3, 128>}, {pipeline_mode = #tpu.pipeline_mode<synchronous>, transform_indices = @transform_9, window_bounds = array<i64: 1, 128>}, {transform_indices = @transform_10, window_bounds = array<i64: 256, 16, 64>}, {pipeline_mode = #tpu.pipeline_mode<synchronous>, transform_indices = @transform_11, window_bounds = array<i64: 8, 64>}]} {
    %eq3A = arith.constant 0 : i32
    %eq3A_0 = arith.cmpi eq, %arg0, %eq3A : i32
    %convert_element_type3A = arith.extui %eq3A_0 : i1 to i32
    %cond3A = arith.constant 0 : i32
    %cond3A_1 = arith.cmpi ne, %convert_element_type3A, %cond3A : i32
    scf.if %cond3A_1 {
      %broadcast_in_dim3A_112 = arith.constant 0.000000e+00 : f32
      %broadcast_in_dim3A_113 = vector.broadcast %broadcast_in_dim3A_112 : f32 to vector<1x64xf32>
      %swap3A_114 = arith.constant 0 : index
      %swap3A_115 = arith.constant 0 : index
      %swap3A_116 = vector.load %arg13[%swap3A_114, %swap3A_115] : memref<1x64xf32, #tpu.memory_space<vmem>>, vector<1x64xf32>
      tpu.vector_store %arg13[%swap3A_114, %swap3A_115], %broadcast_in_dim3A_113 {strides = array<i32>} : memref<1x64xf32, #tpu.memory_space<vmem>>, vector<1x64xf32>,
      %broadcast_in_dim3A_117 = arith.constant 0.000000e+00 : f32
      %broadcast_in_dim3A_118 = vector.broadcast %broadcast_in_dim3A_117 : f32 to vector<1x64xf32>
      %swap3A_119 = arith.constant 0 : index
      %swap3A_120 = arith.constant 0 : index
      %swap3A_121 = vector.load %arg14[%swap3A_119, %swap3A_120] : memref<1x64xf32, #tpu.memory_space<vmem>>, vector<1x64xf32>
      tpu.vector_store %arg14[%swap3A_119, %swap3A_120], %broadcast_in_dim3A_118 {strides = array<i32>} : memref<1x64xf32, #tpu.memory_space<vmem>>, vector<1x64xf32>,
    } else {
    }
    %get3A = arith.constant 0 : index
    %get3A_2 = arith.constant 0 : index
    %get3A_3 = arith.constant 0 : index
    %get3A_4 = vector.load %arg3[%get3A, %get3A_2, %get3A_3] : memref<256x16x3xf32, #tpu.memory_space<vmem>>, vector<256x16x3xf32>
    %get3A_5 = arith.constant 0 : index
    %get3A_6 = arith.constant 0 : index
    %get3A_7 = vector.load %arg5[%get3A_5, %get3A_6] : memref<3x3xf32, #tpu.memory_space<vmem>>, vector<3x3xf32>
    %get3A_8 = arith.constant 0 : index
    %get3A_9 = arith.constant 0 : index
    %get3A_10 = vector.load %arg4[%get3A_8, %get3A_9] : memref<8x8xf32, #tpu.memory_space<vmem>>, vector<1x3xf32>
    %get3A_11 = arith.constant 1 : index
    %get3A_12 = arith.constant 0 : index
    %get3A_13 = vector.load %arg4[%get3A_11, %get3A_12] : memref<8x8xf32, #tpu.memory_space<vmem>>, vector<3x3xf32>
    %dot_general3A = arith.constant dense<0.000000e+00> : vector<1x3xf32>
    %dot_general3A_14 = tpu.matmul %get3A_10, %get3A_7, %dot_general3A {dimension_numbers = #tpu.dot_dimension_numbers<[1], [0], [0], [1], [0, 0, 1, 1], [], []>, precision = #tpu.contract_precision<fp32>, transpose_lhs_hint = false} : vector<1x3xf32>, vector<3x3xf32>, vector<1x3xf32> -> vector<1x3xf32>
    %dot_general3A_15 = arith.constant dense<0.000000e+00> : vector<3x3xf32>
    %dot_general3A_16 = tpu.matmul %get3A_13, %get3A_7, %dot_general3A_15 {dimension_numbers = #tpu.dot_dimension_numbers<[1], [0], [0], [1], [0, 0, 1, 1], [], []>, precision = #tpu.contract_precision<fp32>, transpose_lhs_hint = false} : vector<3x3xf32>, vector<3x3xf32>, vector<3x3xf32> -> vector<3x3xf32>
    %mul3A = arith.mulf %get3A_7, %dot_general3A_16 : vector<3x3xf32>
    %reduce_sum3A = arith.constant dense<0.000000e+00> : vector<3xf32>
    %reduce_sum3A_17 = vector.multi_reduction <add>, %mul3A, %reduce_sum3A [0] : vector<3x3xf32> to vector<3xf32>
    %broadcast_in_dim3A = vector.shape_cast %reduce_sum3A_17 : vector<3xf32> to vector<1x3xf32>
    %get3A_18 = arith.constant 0 : index
    %get3A_19 = arith.constant 0 : index
    %get3A_20 = vector.load %arg6[%get3A_18, %get3A_19] : memref<1x3xf32, #tpu.memory_space<vmem>>, vector<1x3xf32>
    %div3A = arith.constant 1.310720e+05 : f32
    %div3A_21 = vector.broadcast %div3A : f32 to vector<1x3xf32>
    %div3A_22 = arith.divf %dot_general3A_14, %div3A_21 : vector<1x3xf32>
    %add3A = arith.addf %div3A_22, %get3A_20 : vector<1x3xf32>
    %div3A_23 = arith.constant 1.310720e+05 : f32
    %div3A_24 = vector.broadcast %div3A_23 : f32 to vector<1x3xf32>
    %div3A_25 = arith.divf %broadcast_in_dim3A, %div3A_24 : vector<1x3xf32>
    %mul3A_26 = arith.constant 2.000000e+00 : f32
    %mul3A_27 = vector.broadcast %mul3A_26 : f32 to vector<1x3xf32>
    %mul3A_28 = arith.mulf %mul3A_27, %get3A_20 : vector<1x3xf32>
    %div3A_29 = arith.constant 1.310720e+05 : f32
    %div3A_30 = vector.broadcast %div3A_29 : f32 to vector<1x3xf32>
    %div3A_31 = arith.divf %dot_general3A_14, %div3A_30 : vector<1x3xf32>
    %mul3A_32 = arith.mulf %mul3A_28, %div3A_31 : vector<1x3xf32>
    %add3A_33 = arith.addf %div3A_25, %mul3A_32 : vector<1x3xf32>
    %mul3A_34 = arith.mulf %get3A_20, %get3A_20 : vector<1x3xf32>
    %add3A_35 = arith.addf %add3A_33, %mul3A_34 : vector<1x3xf32>
    %mul3A_36 = arith.mulf %add3A, %add3A : vector<1x3xf32>
    %sub3A = arith.subf %add3A_35, %mul3A_36 : vector<1x3xf32>
    %get3A_37 = arith.constant 0 : index
    %get3A_38 = arith.constant 0 : index
    %get3A_39 = vector.load %arg7[%get3A_37, %get3A_38] : memref<1x3xf32, #tpu.memory_space<vmem>>, vector<1x3xf32>
    %add3A_40 = arith.constant 9.99999974E-6 : f32
    %add3A_41 = vector.broadcast %add3A_40 : f32 to vector<1x3xf32>
    %add3A_42 = arith.addf %sub3A, %add3A_41 : vector<1x3xf32>
    %rsqrt3A = math.rsqrt %add3A_42 : vector<1x3xf32>
    %mul3A_43 = arith.mulf %get3A_39, %rsqrt3A : vector<1x3xf32>
    %get3A_44 = arith.constant 0 : index
    %get3A_45 = arith.constant 0 : index
    %get3A_46 = vector.load %arg8[%get3A_44, %get3A_45] : memref<1x3xf32, #tpu.memory_space<vmem>>, vector<1x3xf32>
    %mul3A_47 = arith.mulf %add3A, %mul3A_43 : vector<1x3xf32>
    %sub3A_48 = arith.subf %get3A_46, %mul3A_47 : vector<1x3xf32>
    %reshape3A = vector.shape_cast %get3A_4 : vector<256x16x3xf32> to vector<4096x3xf32>
    %dot_general3A_49 = arith.constant dense<0.000000e+00> : vector<4096x3xf32>
    %dot_general3A_50 = tpu.matmul %reshape3A, %get3A_7, %dot_general3A_49 {dimension_numbers = #tpu.dot_dimension_numbers<[1], [0], [0], [1], [0, 0, 1, 1], [], []>, precision = #tpu.contract_precision<fp32>, transpose_lhs_hint = false} : vector<4096x3xf32>, vector<3x3xf32>, vector<4096x3xf32> -> vector<4096x3xf32>
    %add3A_51 = vector.broadcast %get3A_20 : vector<1x3xf32> to vector<4096x3xf32>
    %add3A_52 = arith.addf %dot_general3A_50, %add3A_51 : vector<4096x3xf32>
    %mul3A_53 = vector.broadcast %mul3A_43 : vector<1x3xf32> to vector<4096x3xf32>
    %mul3A_54 = arith.mulf %add3A_52, %mul3A_53 : vector<4096x3xf32>
    %add3A_55 = vector.broadcast %sub3A_48 : vector<1x3xf32> to vector<4096x3xf32>
    %add3A_56 = arith.addf %mul3A_54, %add3A_55 : vector<4096x3xf32>
    %max3A = arith.constant 0.000000e+00 : f32
    %max3A_57 = vector.broadcast %max3A : f32 to vector<4096x3xf32>
    %max3A_58 = arith.maximumf %add3A_56, %max3A_57 : vector<4096x3xf32>
    %get3A_59 = arith.constant 0 : index
    %get3A_60 = arith.constant 0 : index
    %get3A_61 = vector.load %arg9[%get3A_59, %get3A_60] : memref<3x128xf32, #tpu.memory_space<vmem>>, vector<3x128xf32>
    %dot_general3A_62 = arith.constant dense<0.000000e+00> : vector<4096x128xf32>
    %dot_general3A_63 = tpu.matmul %max3A_58, %get3A_61, %dot_general3A_62 {dimension_numbers = #tpu.dot_dimension_numbers<[1], [0], [0], [1], [0, 0, 1, 1], [], []>, precision = #tpu.contract_precision<fp32>, transpose_lhs_hint = false} : vector<4096x3xf32>, vector<3x128xf32>, vector<4096x128xf32> -> vector<4096x128xf32>
    %get3A_64 = arith.constant 0 : index
    %get3A_65 = arith.constant 0 : index
    %get3A_66 = vector.load %arg10[%get3A_64, %get3A_65] : memref<1x128xf32, #tpu.memory_space<vmem>>, vector<1x128xf32>
    %add3A_67 = vector.broadcast %get3A_66 : vector<1x128xf32> to vector<4096x128xf32>
    %add3A_68 = arith.addf %dot_general3A_63, %add3A_67 : vector<4096x128xf32>
    %reshape3A_69 = vector.shape_cast %add3A_68 : vector<4096x128xf32> to vector<256x16x128xf32>
    %get3A_70 = arith.constant 0 : index
    %get3A_71 = arith.constant 0 : index
    %get3A_72 = arith.constant 0 : index
    %get3A_73 = vector.load %arg1[%get3A_70, %get3A_71, %get3A_72] : memref<256x16x128xf32, #tpu.memory_space<vmem>>, vector<256x16x64xf32>
    %get3A_74 = arith.constant 0 : index
    %get3A_75 = arith.constant 0 : index
    %get3A_76 = vector.load %arg2[%get3A_74, %get3A_75] : memref<256x64xf32, #tpu.memory_space<vmem>>, vector<256x64xf32>
    %broadcast_in_dim3A_77 = vector.shape_cast %get3A_76 : vector<256x64xf32> to vector<256x1x64xf32>
    %sub3A_78 = vector.broadcast %broadcast_in_dim3A_77 : vector<256x1x64xf32> to vector<256x16x64xf32>
    %sub3A_79 = arith.subf %get3A_73, %sub3A_78 : vector<256x16x64xf32>
    %slice3A = vector.extract_strided_slice %reshape3A_69 {offsets = [0, 0, 0], sizes = [256, 16, 64], strides = [1, 1, 1]} : vector<256x16x128xf32> to vector<256x16x64xf32>
    %add3A_80 = arith.addf %sub3A_79, %slice3A : vector<256x16x64xf32>
    %slice3A_81 = vector.extract_strided_slice %reshape3A_69 {offsets = [0, 0, 64], sizes = [256, 16, 64], strides = [1, 1, 1]} : vector<256x16x128xf32> to vector<256x16x64xf32>
    %add3A_82 = arith.addf %add3A_80, %slice3A_81 : vector<256x16x64xf32>
    %swap3A = arith.constant 0 : index
    %swap3A_83 = arith.constant 0 : index
    %swap3A_84 = arith.constant 0 : index
    %swap3A_85 = vector.load %arg11[%swap3A, %swap3A_83, %swap3A_84] : memref<256x16x64xf32, #tpu.memory_space<vmem>>, vector<256x16x64xf32>
    tpu.vector_store %arg11[%swap3A, %swap3A_83, %swap3A_84], %add3A_82 {strides = array<i32>} : memref<256x16x64xf32, #tpu.memory_space<vmem>>, vector<256x16x64xf32>,
    %get3A_86 = arith.constant 0 : index
    %get3A_87 = arith.constant 0 : index
    %get3A_88 = vector.load %arg13[%get3A_86, %get3A_87] : memref<1x64xf32, #tpu.memory_space<vmem>>, vector<1x64xf32>
    %reduce_sum3A_89 = arith.constant dense<0.000000e+00> : vector<64xf32>
    %reduce_sum3A_90 = vector.multi_reduction <add>, %add3A_82, %reduce_sum3A_89 [0, 1] : vector<256x16x64xf32> to vector<64xf32>
    %broadcast_in_dim3A_91 = vector.shape_cast %reduce_sum3A_90 : vector<64xf32> to vector<1x64xf32>
    %add3A_92 = arith.addf %get3A_88, %broadcast_in_dim3A_91 : vector<1x64xf32>
    %swap3A_93 = arith.constant 0 : index
    %swap3A_94 = arith.constant 0 : index
    %swap3A_95 = vector.load %arg13[%swap3A_93, %swap3A_94] : memref<1x64xf32, #tpu.memory_space<vmem>>, vector<1x64xf32>
    tpu.vector_store %arg13[%swap3A_93, %swap3A_94], %add3A_92 {strides = array<i32>} : memref<1x64xf32, #tpu.memory_space<vmem>>, vector<1x64xf32>,
    %get3A_96 = arith.constant 0 : index
    %get3A_97 = arith.constant 0 : index
    %get3A_98 = vector.load %arg14[%get3A_96, %get3A_97] : memref<1x64xf32, #tpu.memory_space<vmem>>, vector<1x64xf32>
    %mul3A_99 = arith.mulf %add3A_82, %add3A_82 : vector<256x16x64xf32>
    %reduce_sum3A_100 = arith.constant dense<0.000000e+00> : vector<64xf32>
    %reduce_sum3A_101 = vector.multi_reduction <add>, %mul3A_99, %reduce_sum3A_100 [0, 1] : vector<256x16x64xf32> to vector<64xf32>
    %broadcast_in_dim3A_102 = vector.shape_cast %reduce_sum3A_101 : vector<64xf32> to vector<1x64xf32>
    %add3A_103 = arith.addf %get3A_98, %broadcast_in_dim3A_102 : vector<1x64xf32>
    %swap3A_104 = arith.constant 0 : index
    %swap3A_105 = arith.constant 0 : index
    %swap3A_106 = vector.load %arg14[%swap3A_104, %swap3A_105] : memref<1x64xf32, #tpu.memory_space<vmem>>, vector<1x64xf32>
    tpu.vector_store %arg14[%swap3A_104, %swap3A_105], %add3A_103 {strides = array<i32>} : memref<1x64xf32, #tpu.memory_space<vmem>>, vector<1x64xf32>,
    %eq3A_107 = arith.constant 31 : i32
    %eq3A_108 = arith.cmpi eq, %arg0, %eq3A_107 : i32
    %convert_element_type3A_109 = arith.extui %eq3A_108 : i1 to i32
    %cond3A_110 = arith.constant 0 : i32
    %cond3A_111 = arith.cmpi ne, %convert_element_type3A_109, %cond3A_110 : i32
    scf.if %cond3A_111 {
      %get3A_112 = arith.constant 0 : index
      %get3A_113 = arith.constant 0 : index
      %get3A_114 = vector.load %arg13[%get3A_112, %get3A_113] : memref<1x64xf32, #tpu.memory_space<vmem>>, vector<1x64xf32>
      %get3A_115 = arith.constant 0 : index
      %get3A_116 = arith.constant 0 : index
      %get3A_117 = vector.load %arg14[%get3A_115, %get3A_116] : memref<1x64xf32, #tpu.memory_space<vmem>>, vector<1x64xf32>
      %broadcast_in_dim3A_118 = arith.constant 0.000000e+00 : f32
      %broadcast_in_dim3A_119 = vector.broadcast %broadcast_in_dim3A_118 : f32 to vector<6x64xf32>
      %concatenate3A = tpu.concatenate %get3A_114, %get3A_117, %broadcast_in_dim3A_119 in 0 : vector<1x64xf32>, vector<1x64xf32>, vector<6x64xf32> -> vector<8x64xf32>
      %swap3A_120 = arith.constant 0 : index
      %swap3A_121 = arith.constant 0 : index
      %swap3A_122 = vector.load %arg12[%swap3A_120, %swap3A_121] : memref<8x64xf32, #tpu.memory_space<vmem>>, vector<8x64xf32>
      tpu.vector_store %arg12[%swap3A_120, %swap3A_121], %concatenate3A {strides = array<i32>} : memref<8x64xf32, #tpu.memory_space<vmem>>, vector<8x64xf32>,
    } else {
    }
    return
  }
  func.func @transform_0(%arg0: i32) -> (i32, i32, i32) {
    %c0_i32 = arith.constant 0 : i32
    %c0_i32_0 = arith.constant 0 : i32
    %c0_i32_1 = arith.constant 0 : i32
    return %arg0, %c0_i32, %c0_i32_0 : i32, i32, i32
  }
  func.func @transform_1(%arg0: i32) -> (i32, i32) {
    %c0_i32 = arith.constant 0 : i32
    %c0_i32_0 = arith.constant 0 : i32
    return %arg0, %c0_i32 : i32, i32
  }
  func.func @transform_2(%arg0: i32) -> (i32, i32, i32) {
    %c0_i32 = arith.constant 0 : i32
    %c0_i32_0 = arith.constant 0 : i32
    %c0_i32_1 = arith.constant 0 : i32
    return %arg0, %c0_i32, %c0_i32_0 : i32, i32, i32
  }
  func.func @transform_3(%arg0: i32) -> (i32, i32) {
    %c0_i32 = arith.constant 0 : i32
    %c0_i32_0 = arith.constant 0 : i32
    %c0_i32_1 = arith.constant 0 : i32
    return %c0_i32, %c0_i32_0 : i32, i32
  }
  func.func @transform_4(%arg0: i32) -> (i32, i32) {
    %c0_i32 = arith.constant 0 : i32
    %c0_i32_0 = arith.constant 0 : i32
    %c0_i32_1 = arith.constant 0 : i32
    return %c0_i32, %c0_i32_0 : i32, i32
  }
  func.func @transform_5(%arg0: i32) -> (i32, i32) {
    %c0_i32 = arith.constant 0 : i32
    %c0_i32_0 = arith.constant 0 : i32
    %c0_i32_1 = arith.constant 0 : i32
    return %c0_i32, %c0_i32_0 : i32, i32
  }
  func.func @transform_6(%arg0: i32) -> (i32, i32) {
    %c0_i32 = arith.constant 0 : i32
    %c0_i32_0 = arith.constant 0 : i32
    %c0_i32_1 = arith.constant 0 : i32
    return %c0_i32, %c0_i32_0 : i32, i32
  }
  func.func @transform_7(%arg0: i32) -> (i32, i32) {
    %c0_i32 = arith.constant 0 : i32
    %c0_i32_0 = arith.constant 0 : i32
    %c0_i32_1 = arith.constant 0 : i32
    return %c0_i32, %c0_i32_0 : i32, i32
  }
  func.func @transform_8(%arg0: i32) -> (i32, i32) {
    %c0_i32 = arith.constant 0 : i32
    %c0_i32_0 = arith.constant 0 : i32
    %c0_i32_1 = arith.constant 0 : i32
    return %c0_i32, %c0_i32_0 : i32, i32
  }
  func.func @transform_9(%arg0: i32) -> (i32, i32) {
    %c0_i32 = arith.constant 0 : i32
    %c0_i32_0 = arith.constant 0 : i32
    %c0_i32_1 = arith.constant 0 : i32
    return %c0_i32, %c0_i32_0 : i32, i32
  }
  func.func @transform_10(%arg0: i32) -> (i32, i32, i32) {
    %c0_i32 = arith.constant 0 : i32
    %c0_i32_0 = arith.constant 0 : i32
    %c0_i32_1 = arith.constant 0 : i32
    return %arg0, %c0_i32, %c0_i32_0 : i32, i32, i32
  }
  func.func @transform_11(%arg0: i32) -> (i32, i32) {
    %c0_i32 = arith.constant 0 : i32
    %c0_i32_0 = arith.constant 0 : i32
    %c0_i32_1 = arith.constant 0 : i32
    return %c0_i32, %c0_i32_0 : i32, i32
  }
}

module attributes {stable_mosaic.version = 14 : i64} {
  func.func @_w1_kernel(%arg0: i32, %arg1: memref<256x16x64xf32, #tpu.memory_space<vmem>>, %arg2: memref<8x64xf32, #tpu.memory_space<vmem>>, %arg3: memref<1x64xf32, #tpu.memory_space<vmem>>, %arg4: memref<1x64xf32, #tpu.memory_space<vmem>>, %arg5: memref<64x8xf32, #tpu.memory_space<vmem>>, %arg6: memref<1x8xf32, #tpu.memory_space<vmem>>, %arg7: memref<256x16x8xf32, #tpu.memory_space<vmem>>, %arg8: memref<8x8xf32, #tpu.memory_space<vmem>>, %arg9: memref<1x8xf32, #tpu.memory_space<vmem>>, %arg10: memref<1x8xf32, #tpu.memory_space<vmem>>) attributes {dimension_semantics = [#tpu.dimension_semantics<arbitrary>], iteration_bounds = array<i64: 32>, scalar_prefetch = 0 : i64, scratch_operands = 2 : i64, tpu.core_type = #tpu.core_type<tc>, window_params = [{transform_indices = @transform_0, window_bounds = array<i64: 256, 16, 64>}, {pipeline_mode = #tpu.pipeline_mode<synchronous>, transform_indices = @transform_1, window_bounds = array<i64: 8, 64>}, {pipeline_mode = #tpu.pipeline_mode<synchronous>, transform_indices = @transform_2, window_bounds = array<i64: 1, 64>}, {pipeline_mode = #tpu.pipeline_mode<synchronous>, transform_indices = @transform_3, window_bounds = array<i64: 1, 64>}, {pipeline_mode = #tpu.pipeline_mode<synchronous>, transform_indices = @transform_4, window_bounds = array<i64: 64, 8>}, {pipeline_mode = #tpu.pipeline_mode<synchronous>, transform_indices = @transform_5, window_bounds = array<i64: 1, 8>}, {transform_indices = @transform_6, window_bounds = array<i64: 256, 16, 8>}, {pipeline_mode = #tpu.pipeline_mode<synchronous>, transform_indices = @transform_7, window_bounds = array<i64: 8, 8>}]} {
    %eq3A = arith.constant 0 : i32
    %eq3A_0 = arith.cmpi eq, %arg0, %eq3A : i32
    %convert_element_type3A = arith.extui %eq3A_0 : i1 to i32
    %cond3A = arith.constant 0 : i32
    %cond3A_1 = arith.cmpi ne, %convert_element_type3A, %cond3A : i32
    scf.if %cond3A_1 {
      %broadcast_in_dim3A_72 = arith.constant 0.000000e+00 : f32
      %broadcast_in_dim3A_73 = vector.broadcast %broadcast_in_dim3A_72 : f32 to vector<1x8xf32>
      %swap3A_74 = arith.constant 0 : index
      %swap3A_75 = arith.constant 0 : index
      %swap3A_76 = vector.load %arg9[%swap3A_74, %swap3A_75] : memref<1x8xf32, #tpu.memory_space<vmem>>, vector<1x8xf32>
      tpu.vector_store %arg9[%swap3A_74, %swap3A_75], %broadcast_in_dim3A_73 {strides = array<i32>} : memref<1x8xf32, #tpu.memory_space<vmem>>, vector<1x8xf32>,
      %broadcast_in_dim3A_77 = arith.constant 0.000000e+00 : f32
      %broadcast_in_dim3A_78 = vector.broadcast %broadcast_in_dim3A_77 : f32 to vector<1x8xf32>
      %swap3A_79 = arith.constant 0 : index
      %swap3A_80 = arith.constant 0 : index
      %swap3A_81 = vector.load %arg10[%swap3A_79, %swap3A_80] : memref<1x8xf32, #tpu.memory_space<vmem>>, vector<1x8xf32>
      tpu.vector_store %arg10[%swap3A_79, %swap3A_80], %broadcast_in_dim3A_78 {strides = array<i32>} : memref<1x8xf32, #tpu.memory_space<vmem>>, vector<1x8xf32>,
    } else {
    }
    %get3A = arith.constant 0 : index
    %get3A_2 = arith.constant 0 : index
    %get3A_3 = vector.load %arg2[%get3A, %get3A_2] : memref<8x64xf32, #tpu.memory_space<vmem>>, vector<1x64xf32>
    %div3A = arith.constant 1.310720e+05 : f32
    %div3A_4 = vector.broadcast %div3A : f32 to vector<1x64xf32>
    %div3A_5 = arith.divf %get3A_3, %div3A_4 : vector<1x64xf32>
    %get3A_6 = arith.constant 1 : index
    %get3A_7 = arith.constant 0 : index
    %get3A_8 = vector.load %arg2[%get3A_6, %get3A_7] : memref<8x64xf32, #tpu.memory_space<vmem>>, vector<1x64xf32>
    %div3A_9 = arith.constant 1.310720e+05 : f32
    %div3A_10 = vector.broadcast %div3A_9 : f32 to vector<1x64xf32>
    %div3A_11 = arith.divf %get3A_8, %div3A_10 : vector<1x64xf32>
    %mul3A = arith.mulf %div3A_5, %div3A_5 : vector<1x64xf32>
    %sub3A = arith.subf %div3A_11, %mul3A : vector<1x64xf32>
    %get3A_12 = arith.constant 0 : index
    %get3A_13 = arith.constant 0 : index
    %get3A_14 = vector.load %arg3[%get3A_12, %get3A_13] : memref<1x64xf32, #tpu.memory_space<vmem>>, vector<1x64xf32>
    %add3A = arith.constant 9.99999974E-6 : f32
    %add3A_15 = vector.broadcast %add3A : f32 to vector<1x64xf32>
    %add3A_16 = arith.addf %sub3A, %add3A_15 : vector<1x64xf32>
    %sqrt3A = math.sqrt %add3A_16 : vector<1x64xf32>
    %div3A_17 = arith.divf %get3A_14, %sqrt3A : vector<1x64xf32>
    %get3A_18 = arith.constant 0 : index
    %get3A_19 = arith.constant 0 : index
    %get3A_20 = vector.load %arg4[%get3A_18, %get3A_19] : memref<1x64xf32, #tpu.memory_space<vmem>>, vector<1x64xf32>
    %mul3A_21 = arith.mulf %div3A_5, %div3A_17 : vector<1x64xf32>
    %sub3A_22 = arith.subf %get3A_20, %mul3A_21 : vector<1x64xf32>
    %reshape3A = vector.shape_cast %div3A_17 : vector<1x64xf32> to vector<1x1x64xf32>
    %reshape3A_23 = vector.shape_cast %sub3A_22 : vector<1x64xf32> to vector<1x1x64xf32>
    %get3A_24 = arith.constant 0 : index
    %get3A_25 = arith.constant 0 : index
    %get3A_26 = arith.constant 0 : index
    %get3A_27 = vector.load %arg1[%get3A_24, %get3A_25, %get3A_26] : memref<256x16x64xf32, #tpu.memory_space<vmem>>, vector<256x16x64xf32>
    %mul3A_28 = vector.broadcast %reshape3A : vector<1x1x64xf32> to vector<256x16x64xf32>
    %mul3A_29 = arith.mulf %get3A_27, %mul3A_28 : vector<256x16x64xf32>
    %add3A_30 = vector.broadcast %reshape3A_23 : vector<1x1x64xf32> to vector<256x16x64xf32>
    %add3A_31 = arith.addf %mul3A_29, %add3A_30 : vector<256x16x64xf32>
    %max3A = arith.constant 0.000000e+00 : f32
    %max3A_32 = vector.broadcast %max3A : f32 to vector<256x16x64xf32>
    %max3A_33 = arith.maximumf %add3A_31, %max3A_32 : vector<256x16x64xf32>
    %reshape3A_34 = vector.shape_cast %max3A_33 : vector<256x16x64xf32> to vector<4096x64xf32>
    %get3A_35 = arith.constant 0 : index
    %get3A_36 = arith.constant 0 : index
    %get3A_37 = vector.load %arg5[%get3A_35, %get3A_36] : memref<64x8xf32, #tpu.memory_space<vmem>>, vector<64x8xf32>
    %dot_general3A = arith.constant dense<0.000000e+00> : vector<4096x8xf32>
    %dot_general3A_38 = tpu.matmul %reshape3A_34, %get3A_37, %dot_general3A {dimension_numbers = #tpu.dot_dimension_numbers<[1], [0], [0], [1], [0, 0, 1, 1], [], []>, precision = #tpu.contract_precision<fp32>, transpose_lhs_hint = false} : vector<4096x64xf32>, vector<64x8xf32>, vector<4096x8xf32> -> vector<4096x8xf32>
    %get3A_39 = arith.constant 0 : index
    %get3A_40 = arith.constant 0 : index
    %get3A_41 = vector.load %arg6[%get3A_39, %get3A_40] : memref<1x8xf32, #tpu.memory_space<vmem>>, vector<1x8xf32>
    %add3A_42 = vector.broadcast %get3A_41 : vector<1x8xf32> to vector<4096x8xf32>
    %add3A_43 = arith.addf %dot_general3A_38, %add3A_42 : vector<4096x8xf32>
    %reshape3A_44 = vector.shape_cast %add3A_43 : vector<4096x8xf32> to vector<256x16x8xf32>
    %swap3A = arith.constant 0 : index
    %swap3A_45 = arith.constant 0 : index
    %swap3A_46 = arith.constant 0 : index
    %swap3A_47 = vector.load %arg7[%swap3A, %swap3A_45, %swap3A_46] : memref<256x16x8xf32, #tpu.memory_space<vmem>>, vector<256x16x8xf32>
    tpu.vector_store %arg7[%swap3A, %swap3A_45, %swap3A_46], %reshape3A_44 {strides = array<i32>} : memref<256x16x8xf32, #tpu.memory_space<vmem>>, vector<256x16x8xf32>,
    %get3A_48 = arith.constant 0 : index
    %get3A_49 = arith.constant 0 : index
    %get3A_50 = vector.load %arg9[%get3A_48, %get3A_49] : memref<1x8xf32, #tpu.memory_space<vmem>>, vector<1x8xf32>
    %reduce_sum3A = arith.constant dense<0.000000e+00> : vector<8xf32>
    %reduce_sum3A_51 = vector.multi_reduction <add>, %reshape3A_44, %reduce_sum3A [0, 1] : vector<256x16x8xf32> to vector<8xf32>
    %broadcast_in_dim3A = vector.shape_cast %reduce_sum3A_51 : vector<8xf32> to vector<1x8xf32>
    %add3A_52 = arith.addf %get3A_50, %broadcast_in_dim3A : vector<1x8xf32>
    %swap3A_53 = arith.constant 0 : index
    %swap3A_54 = arith.constant 0 : index
    %swap3A_55 = vector.load %arg9[%swap3A_53, %swap3A_54] : memref<1x8xf32, #tpu.memory_space<vmem>>, vector<1x8xf32>
    tpu.vector_store %arg9[%swap3A_53, %swap3A_54], %add3A_52 {strides = array<i32>} : memref<1x8xf32, #tpu.memory_space<vmem>>, vector<1x8xf32>,
    %get3A_56 = arith.constant 0 : index
    %get3A_57 = arith.constant 0 : index
    %get3A_58 = vector.load %arg10[%get3A_56, %get3A_57] : memref<1x8xf32, #tpu.memory_space<vmem>>, vector<1x8xf32>
    %mul3A_59 = arith.mulf %reshape3A_44, %reshape3A_44 : vector<256x16x8xf32>
    %reduce_sum3A_60 = arith.constant dense<0.000000e+00> : vector<8xf32>
    %reduce_sum3A_61 = vector.multi_reduction <add>, %mul3A_59, %reduce_sum3A_60 [0, 1] : vector<256x16x8xf32> to vector<8xf32>
    %broadcast_in_dim3A_62 = vector.shape_cast %reduce_sum3A_61 : vector<8xf32> to vector<1x8xf32>
    %add3A_63 = arith.addf %get3A_58, %broadcast_in_dim3A_62 : vector<1x8xf32>
    %swap3A_64 = arith.constant 0 : index
    %swap3A_65 = arith.constant 0 : index
    %swap3A_66 = vector.load %arg10[%swap3A_64, %swap3A_65] : memref<1x8xf32, #tpu.memory_space<vmem>>, vector<1x8xf32>
    tpu.vector_store %arg10[%swap3A_64, %swap3A_65], %add3A_63 {strides = array<i32>} : memref<1x8xf32, #tpu.memory_space<vmem>>, vector<1x8xf32>,
    %eq3A_67 = arith.constant 31 : i32
    %eq3A_68 = arith.cmpi eq, %arg0, %eq3A_67 : i32
    %convert_element_type3A_69 = arith.extui %eq3A_68 : i1 to i32
    %cond3A_70 = arith.constant 0 : i32
    %cond3A_71 = arith.cmpi ne, %convert_element_type3A_69, %cond3A_70 : i32
    scf.if %cond3A_71 {
      %get3A_72 = arith.constant 0 : index
      %get3A_73 = arith.constant 0 : index
      %get3A_74 = vector.load %arg9[%get3A_72, %get3A_73] : memref<1x8xf32, #tpu.memory_space<vmem>>, vector<1x8xf32>
      %get3A_75 = arith.constant 0 : index
      %get3A_76 = arith.constant 0 : index
      %get3A_77 = vector.load %arg10[%get3A_75, %get3A_76] : memref<1x8xf32, #tpu.memory_space<vmem>>, vector<1x8xf32>
      %broadcast_in_dim3A_78 = arith.constant 0.000000e+00 : f32
      %broadcast_in_dim3A_79 = vector.broadcast %broadcast_in_dim3A_78 : f32 to vector<6x8xf32>
      %concatenate3A = tpu.concatenate %get3A_74, %get3A_77, %broadcast_in_dim3A_79 in 0 : vector<1x8xf32>, vector<1x8xf32>, vector<6x8xf32> -> vector<8x8xf32>
      %swap3A_80 = arith.constant 0 : index
      %swap3A_81 = arith.constant 0 : index
      %swap3A_82 = vector.load %arg8[%swap3A_80, %swap3A_81] : memref<8x8xf32, #tpu.memory_space<vmem>>, vector<8x8xf32>
      tpu.vector_store %arg8[%swap3A_80, %swap3A_81], %concatenate3A {strides = array<i32>} : memref<8x8xf32, #tpu.memory_space<vmem>>, vector<8x8xf32>,
    } else {
    }
    return
  }
  func.func @transform_0(%arg0: i32) -> (i32, i32, i32) {
    %c0_i32 = arith.constant 0 : i32
    %c0_i32_0 = arith.constant 0 : i32
    %c0_i32_1 = arith.constant 0 : i32
    return %arg0, %c0_i32, %c0_i32_0 : i32, i32, i32
  }
  func.func @transform_1(%arg0: i32) -> (i32, i32) {
    %c0_i32 = arith.constant 0 : i32
    %c0_i32_0 = arith.constant 0 : i32
    %c0_i32_1 = arith.constant 0 : i32
    return %c0_i32, %c0_i32_0 : i32, i32
  }
  func.func @transform_2(%arg0: i32) -> (i32, i32) {
    %c0_i32 = arith.constant 0 : i32
    %c0_i32_0 = arith.constant 0 : i32
    %c0_i32_1 = arith.constant 0 : i32
    return %c0_i32, %c0_i32_0 : i32, i32
  }
  func.func @transform_3(%arg0: i32) -> (i32, i32) {
    %c0_i32 = arith.constant 0 : i32
    %c0_i32_0 = arith.constant 0 : i32
    %c0_i32_1 = arith.constant 0 : i32
    return %c0_i32, %c0_i32_0 : i32, i32
  }
  func.func @transform_4(%arg0: i32) -> (i32, i32) {
    %c0_i32 = arith.constant 0 : i32
    %c0_i32_0 = arith.constant 0 : i32
    %c0_i32_1 = arith.constant 0 : i32
    return %c0_i32, %c0_i32_0 : i32, i32
  }
  func.func @transform_5(%arg0: i32) -> (i32, i32) {
    %c0_i32 = arith.constant 0 : i32
    %c0_i32_0 = arith.constant 0 : i32
    %c0_i32_1 = arith.constant 0 : i32
    return %c0_i32, %c0_i32_0 : i32, i32
  }
  func.func @transform_6(%arg0: i32) -> (i32, i32, i32) {
    %c0_i32 = arith.constant 0 : i32
    %c0_i32_0 = arith.constant 0 : i32
    %c0_i32_1 = arith.constant 0 : i32
    return %arg0, %c0_i32, %c0_i32_0 : i32, i32, i32
  }
  func.func @transform_7(%arg0: i32) -> (i32, i32) {
    %c0_i32 = arith.constant 0 : i32
    %c0_i32_0 = arith.constant 0 : i32
    %c0_i32_1 = arith.constant 0 : i32
    return %c0_i32, %c0_i32_0 : i32, i32
  }
}

module attributes {stable_mosaic.version = 14 : i64} {
  func.func @_out_kernel(%arg0: i32, %arg1: memref<256x16x128xf32, #tpu.memory_space<vmem>>, %arg2: memref<256x16x3xf32, #tpu.memory_space<vmem>>, %arg3: memref<256x16x8xf32, #tpu.memory_space<vmem>>, %arg4: memref<8x8xf32, #tpu.memory_space<vmem>>, %arg5: memref<3x3xf32, #tpu.memory_space<vmem>>, %arg6: memref<1x3xf32, #tpu.memory_space<vmem>>, %arg7: memref<1x3xf32, #tpu.memory_space<vmem>>, %arg8: memref<1x3xf32, #tpu.memory_space<vmem>>, %arg9: memref<3x128xf32, #tpu.memory_space<vmem>>, %arg10: memref<1x128xf32, #tpu.memory_space<vmem>>, %arg11: memref<8x8xf32, #tpu.memory_space<vmem>>, %arg12: memref<1x8xf32, #tpu.memory_space<vmem>>, %arg13: memref<1x8xf32, #tpu.memory_space<vmem>>, %arg14: memref<8x16xf32, #tpu.memory_space<vmem>>, %arg15: memref<1x16xf32, #tpu.memory_space<vmem>>, %arg16: memref<256x16x128xf32, #tpu.memory_space<vmem>>) attributes {dimension_semantics = [#tpu.dimension_semantics<arbitrary>], iteration_bounds = array<i64: 32>, scalar_prefetch = 0 : i64, scratch_operands = 0 : i64, tpu.core_type = #tpu.core_type<tc>, window_params = [{transform_indices = @transform_0, window_bounds = array<i64: 256, 16, 128>}, {transform_indices = @transform_1, window_bounds = array<i64: 256, 16, 3>}, {transform_indices = @transform_2, window_bounds = array<i64: 256, 16, 8>}, {pipeline_mode = #tpu.pipeline_mode<synchronous>, transform_indices = @transform_3, window_bounds = array<i64: 8, 8>}, {pipeline_mode = #tpu.pipeline_mode<synchronous>, transform_indices = @transform_4, window_bounds = array<i64: 3, 3>}, {pipeline_mode = #tpu.pipeline_mode<synchronous>, transform_indices = @transform_5, window_bounds = array<i64: 1, 3>}, {pipeline_mode = #tpu.pipeline_mode<synchronous>, transform_indices = @transform_6, window_bounds = array<i64: 1, 3>}, {pipeline_mode = #tpu.pipeline_mode<synchronous>, transform_indices = @transform_7, window_bounds = array<i64: 1, 3>}, {pipeline_mode = #tpu.pipeline_mode<synchronous>, transform_indices = @transform_8, window_bounds = array<i64: 3, 128>}, {pipeline_mode = #tpu.pipeline_mode<synchronous>, transform_indices = @transform_9, window_bounds = array<i64: 1, 128>}, {pipeline_mode = #tpu.pipeline_mode<synchronous>, transform_indices = @transform_10, window_bounds = array<i64: 8, 8>}, {pipeline_mode = #tpu.pipeline_mode<synchronous>, transform_indices = @transform_11, window_bounds = array<i64: 1, 8>}, {pipeline_mode = #tpu.pipeline_mode<synchronous>, transform_indices = @transform_12, window_bounds = array<i64: 1, 8>}, {pipeline_mode = #tpu.pipeline_mode<synchronous>, transform_indices = @transform_13, window_bounds = array<i64: 8, 16>}, {pipeline_mode = #tpu.pipeline_mode<synchronous>, transform_indices = @transform_14, window_bounds = array<i64: 1, 16>}, {transform_indices = @transform_15, window_bounds = array<i64: 256, 16, 128>}]} {
    %get3A = arith.constant 0 : index
    %get3A_0 = arith.constant 0 : index
    %get3A_1 = arith.constant 0 : index
    %get3A_2 = vector.load %arg2[%get3A, %get3A_0, %get3A_1] : memref<256x16x3xf32, #tpu.memory_space<vmem>>, vector<256x16x3xf32>
    %get3A_3 = arith.constant 0 : index
    %get3A_4 = arith.constant 0 : index
    %get3A_5 = vector.load %arg5[%get3A_3, %get3A_4] : memref<3x3xf32, #tpu.memory_space<vmem>>, vector<3x3xf32>
    %get3A_6 = arith.constant 0 : index
    %get3A_7 = arith.constant 0 : index
    %get3A_8 = vector.load %arg4[%get3A_6, %get3A_7] : memref<8x8xf32, #tpu.memory_space<vmem>>, vector<1x3xf32>
    %get3A_9 = arith.constant 1 : index
    %get3A_10 = arith.constant 0 : index
    %get3A_11 = vector.load %arg4[%get3A_9, %get3A_10] : memref<8x8xf32, #tpu.memory_space<vmem>>, vector<3x3xf32>
    %dot_general3A = arith.constant dense<0.000000e+00> : vector<1x3xf32>
    %dot_general3A_12 = tpu.matmul %get3A_8, %get3A_5, %dot_general3A {dimension_numbers = #tpu.dot_dimension_numbers<[1], [0], [0], [1], [0, 0, 1, 1], [], []>, precision = #tpu.contract_precision<fp32>, transpose_lhs_hint = false} : vector<1x3xf32>, vector<3x3xf32>, vector<1x3xf32> -> vector<1x3xf32>
    %dot_general3A_13 = arith.constant dense<0.000000e+00> : vector<3x3xf32>
    %dot_general3A_14 = tpu.matmul %get3A_11, %get3A_5, %dot_general3A_13 {dimension_numbers = #tpu.dot_dimension_numbers<[1], [0], [0], [1], [0, 0, 1, 1], [], []>, precision = #tpu.contract_precision<fp32>, transpose_lhs_hint = false} : vector<3x3xf32>, vector<3x3xf32>, vector<3x3xf32> -> vector<3x3xf32>
    %mul3A = arith.mulf %get3A_5, %dot_general3A_14 : vector<3x3xf32>
    %reduce_sum3A = arith.constant dense<0.000000e+00> : vector<3xf32>
    %reduce_sum3A_15 = vector.multi_reduction <add>, %mul3A, %reduce_sum3A [0] : vector<3x3xf32> to vector<3xf32>
    %broadcast_in_dim3A = vector.shape_cast %reduce_sum3A_15 : vector<3xf32> to vector<1x3xf32>
    %get3A_16 = arith.constant 0 : index
    %get3A_17 = arith.constant 0 : index
    %get3A_18 = vector.load %arg6[%get3A_16, %get3A_17] : memref<1x3xf32, #tpu.memory_space<vmem>>, vector<1x3xf32>
    %div3A = arith.constant 1.310720e+05 : f32
    %div3A_19 = vector.broadcast %div3A : f32 to vector<1x3xf32>
    %div3A_20 = arith.divf %dot_general3A_12, %div3A_19 : vector<1x3xf32>
    %add3A = arith.addf %div3A_20, %get3A_18 : vector<1x3xf32>
    %div3A_21 = arith.constant 1.310720e+05 : f32
    %div3A_22 = vector.broadcast %div3A_21 : f32 to vector<1x3xf32>
    %div3A_23 = arith.divf %broadcast_in_dim3A, %div3A_22 : vector<1x3xf32>
    %mul3A_24 = arith.constant 2.000000e+00 : f32
    %mul3A_25 = vector.broadcast %mul3A_24 : f32 to vector<1x3xf32>
    %mul3A_26 = arith.mulf %mul3A_25, %get3A_18 : vector<1x3xf32>
    %div3A_27 = arith.constant 1.310720e+05 : f32
    %div3A_28 = vector.broadcast %div3A_27 : f32 to vector<1x3xf32>
    %div3A_29 = arith.divf %dot_general3A_12, %div3A_28 : vector<1x3xf32>
    %mul3A_30 = arith.mulf %mul3A_26, %div3A_29 : vector<1x3xf32>
    %add3A_31 = arith.addf %div3A_23, %mul3A_30 : vector<1x3xf32>
    %mul3A_32 = arith.mulf %get3A_18, %get3A_18 : vector<1x3xf32>
    %add3A_33 = arith.addf %add3A_31, %mul3A_32 : vector<1x3xf32>
    %mul3A_34 = arith.mulf %add3A, %add3A : vector<1x3xf32>
    %sub3A = arith.subf %add3A_33, %mul3A_34 : vector<1x3xf32>
    %get3A_35 = arith.constant 0 : index
    %get3A_36 = arith.constant 0 : index
    %get3A_37 = vector.load %arg7[%get3A_35, %get3A_36] : memref<1x3xf32, #tpu.memory_space<vmem>>, vector<1x3xf32>
    %add3A_38 = arith.constant 9.99999974E-6 : f32
    %add3A_39 = vector.broadcast %add3A_38 : f32 to vector<1x3xf32>
    %add3A_40 = arith.addf %sub3A, %add3A_39 : vector<1x3xf32>
    %rsqrt3A = math.rsqrt %add3A_40 : vector<1x3xf32>
    %mul3A_41 = arith.mulf %get3A_37, %rsqrt3A : vector<1x3xf32>
    %get3A_42 = arith.constant 0 : index
    %get3A_43 = arith.constant 0 : index
    %get3A_44 = vector.load %arg8[%get3A_42, %get3A_43] : memref<1x3xf32, #tpu.memory_space<vmem>>, vector<1x3xf32>
    %mul3A_45 = arith.mulf %add3A, %mul3A_41 : vector<1x3xf32>
    %sub3A_46 = arith.subf %get3A_44, %mul3A_45 : vector<1x3xf32>
    %reshape3A = vector.shape_cast %get3A_2 : vector<256x16x3xf32> to vector<4096x3xf32>
    %dot_general3A_47 = arith.constant dense<0.000000e+00> : vector<4096x3xf32>
    %dot_general3A_48 = tpu.matmul %reshape3A, %get3A_5, %dot_general3A_47 {dimension_numbers = #tpu.dot_dimension_numbers<[1], [0], [0], [1], [0, 0, 1, 1], [], []>, precision = #tpu.contract_precision<fp32>, transpose_lhs_hint = false} : vector<4096x3xf32>, vector<3x3xf32>, vector<4096x3xf32> -> vector<4096x3xf32>
    %add3A_49 = vector.broadcast %get3A_18 : vector<1x3xf32> to vector<4096x3xf32>
    %add3A_50 = arith.addf %dot_general3A_48, %add3A_49 : vector<4096x3xf32>
    %mul3A_51 = vector.broadcast %mul3A_41 : vector<1x3xf32> to vector<4096x3xf32>
    %mul3A_52 = arith.mulf %add3A_50, %mul3A_51 : vector<4096x3xf32>
    %add3A_53 = vector.broadcast %sub3A_46 : vector<1x3xf32> to vector<4096x3xf32>
    %add3A_54 = arith.addf %mul3A_52, %add3A_53 : vector<4096x3xf32>
    %max3A = arith.constant 0.000000e+00 : f32
    %max3A_55 = vector.broadcast %max3A : f32 to vector<4096x3xf32>
    %max3A_56 = arith.maximumf %add3A_54, %max3A_55 : vector<4096x3xf32>
    %get3A_57 = arith.constant 0 : index
    %get3A_58 = arith.constant 0 : index
    %get3A_59 = vector.load %arg9[%get3A_57, %get3A_58] : memref<3x128xf32, #tpu.memory_space<vmem>>, vector<3x128xf32>
    %dot_general3A_60 = arith.constant dense<0.000000e+00> : vector<4096x128xf32>
    %dot_general3A_61 = tpu.matmul %max3A_56, %get3A_59, %dot_general3A_60 {dimension_numbers = #tpu.dot_dimension_numbers<[1], [0], [0], [1], [0, 0, 1, 1], [], []>, precision = #tpu.contract_precision<fp32>, transpose_lhs_hint = false} : vector<4096x3xf32>, vector<3x128xf32>, vector<4096x128xf32> -> vector<4096x128xf32>
    %get3A_62 = arith.constant 0 : index
    %get3A_63 = arith.constant 0 : index
    %get3A_64 = vector.load %arg10[%get3A_62, %get3A_63] : memref<1x128xf32, #tpu.memory_space<vmem>>, vector<1x128xf32>
    %add3A_65 = vector.broadcast %get3A_64 : vector<1x128xf32> to vector<4096x128xf32>
    %add3A_66 = arith.addf %dot_general3A_61, %add3A_65 : vector<4096x128xf32>
    %reshape3A_67 = vector.shape_cast %add3A_66 : vector<4096x128xf32> to vector<256x16x128xf32>
    %get3A_68 = arith.constant 0 : index
    %get3A_69 = arith.constant 0 : index
    %get3A_70 = vector.load %arg11[%get3A_68, %get3A_69] : memref<8x8xf32, #tpu.memory_space<vmem>>, vector<1x8xf32>
    %div3A_71 = arith.constant 1.310720e+05 : f32
    %div3A_72 = vector.broadcast %div3A_71 : f32 to vector<1x8xf32>
    %div3A_73 = arith.divf %get3A_70, %div3A_72 : vector<1x8xf32>
    %get3A_74 = arith.constant 1 : index
    %get3A_75 = arith.constant 0 : index
    %get3A_76 = vector.load %arg11[%get3A_74, %get3A_75] : memref<8x8xf32, #tpu.memory_space<vmem>>, vector<1x8xf32>
    %div3A_77 = arith.constant 1.310720e+05 : f32
    %div3A_78 = vector.broadcast %div3A_77 : f32 to vector<1x8xf32>
    %div3A_79 = arith.divf %get3A_76, %div3A_78 : vector<1x8xf32>
    %mul3A_80 = arith.mulf %div3A_73, %div3A_73 : vector<1x8xf32>
    %sub3A_81 = arith.subf %div3A_79, %mul3A_80 : vector<1x8xf32>
    %get3A_82 = arith.constant 0 : index
    %get3A_83 = arith.constant 0 : index
    %get3A_84 = vector.load %arg12[%get3A_82, %get3A_83] : memref<1x8xf32, #tpu.memory_space<vmem>>, vector<1x8xf32>
    %add3A_85 = arith.constant 9.99999974E-6 : f32
    %add3A_86 = vector.broadcast %add3A_85 : f32 to vector<1x8xf32>
    %add3A_87 = arith.addf %sub3A_81, %add3A_86 : vector<1x8xf32>
    %sqrt3A = math.sqrt %add3A_87 : vector<1x8xf32>
    %div3A_88 = arith.divf %get3A_84, %sqrt3A : vector<1x8xf32>
    %get3A_89 = arith.constant 0 : index
    %get3A_90 = arith.constant 0 : index
    %get3A_91 = vector.load %arg13[%get3A_89, %get3A_90] : memref<1x8xf32, #tpu.memory_space<vmem>>, vector<1x8xf32>
    %mul3A_92 = arith.mulf %div3A_73, %div3A_88 : vector<1x8xf32>
    %sub3A_93 = arith.subf %get3A_91, %mul3A_92 : vector<1x8xf32>
    %reshape3A_94 = vector.shape_cast %div3A_88 : vector<1x8xf32> to vector<1x1x8xf32>
    %reshape3A_95 = vector.shape_cast %sub3A_93 : vector<1x8xf32> to vector<1x1x8xf32>
    %get3A_96 = arith.constant 0 : index
    %get3A_97 = arith.constant 0 : index
    %get3A_98 = arith.constant 0 : index
    %get3A_99 = vector.load %arg3[%get3A_96, %get3A_97, %get3A_98] : memref<256x16x8xf32, #tpu.memory_space<vmem>>, vector<256x16x8xf32>
    %mul3A_100 = vector.broadcast %reshape3A_94 : vector<1x1x8xf32> to vector<256x16x8xf32>
    %mul3A_101 = arith.mulf %get3A_99, %mul3A_100 : vector<256x16x8xf32>
    %add3A_102 = vector.broadcast %reshape3A_95 : vector<1x1x8xf32> to vector<256x16x8xf32>
    %add3A_103 = arith.addf %mul3A_101, %add3A_102 : vector<256x16x8xf32>
    %max3A_104 = arith.constant 0.000000e+00 : f32
    %max3A_105 = vector.broadcast %max3A_104 : f32 to vector<256x16x8xf32>
    %max3A_106 = arith.maximumf %add3A_103, %max3A_105 : vector<256x16x8xf32>
    %reshape3A_107 = vector.shape_cast %max3A_106 : vector<256x16x8xf32> to vector<4096x8xf32>
    %get3A_108 = arith.constant 0 : index
    %get3A_109 = arith.constant 0 : index
    %get3A_110 = vector.load %arg14[%get3A_108, %get3A_109] : memref<8x16xf32, #tpu.memory_space<vmem>>, vector<8x16xf32>
    %dot_general3A_111 = arith.constant dense<0.000000e+00> : vector<4096x16xf32>
    %dot_general3A_112 = tpu.matmul %reshape3A_107, %get3A_110, %dot_general3A_111 {dimension_numbers = #tpu.dot_dimension_numbers<[1], [0], [0], [1], [0, 0, 1, 1], [], []>, precision = #tpu.contract_precision<fp32>, transpose_lhs_hint = false} : vector<4096x8xf32>, vector<8x16xf32>, vector<4096x16xf32> -> vector<4096x16xf32>
    %reshape3A_113 = vector.shape_cast %dot_general3A_112 : vector<4096x16xf32> to vector<256x16x16xf32>
    %get3A_114 = arith.constant 0 : index
    %get3A_115 = arith.constant 0 : index
    %get3A_116 = vector.load %arg15[%get3A_114, %get3A_115] : memref<1x16xf32, #tpu.memory_space<vmem>>, vector<1x16xf32>
    %reshape3A_117 = vector.shape_cast %get3A_116 : vector<1x16xf32> to vector<1x1x16xf32>
    %add3A_118 = vector.broadcast %reshape3A_117 : vector<1x1x16xf32> to vector<256x16x16xf32>
    %add3A_119 = arith.addf %reshape3A_113, %add3A_118 : vector<256x16x16xf32>
    %reduce_max3A = arith.constant dense<0xFF800000> : vector<256x16xf32>
    %reduce_max3A_120 = vector.multi_reduction <maximumf>, %add3A_119, %reduce_max3A [1] : vector<256x16x16xf32> to vector<256x16xf32>
    %broadcast_in_dim3A_121 = vector.shape_cast %reduce_max3A_120 : vector<256x16xf32> to vector<256x1x16xf32>
    %sub3A_122 = vector.broadcast %broadcast_in_dim3A_121 : vector<256x1x16xf32> to vector<256x16x16xf32>
    %sub3A_123 = arith.subf %add3A_119, %sub3A_122 : vector<256x16x16xf32>
    %exp3A = math.exp %sub3A_123 : vector<256x16x16xf32>
    %reduce_sum3A_124 = arith.constant dense<0.000000e+00> : vector<256x16xf32>
    %reduce_sum3A_125 = vector.multi_reduction <add>, %exp3A, %reduce_sum3A_124 [1] : vector<256x16x16xf32> to vector<256x16xf32>
    %broadcast_in_dim3A_126 = vector.shape_cast %reduce_sum3A_125 : vector<256x16xf32> to vector<256x1x16xf32>
    %div3A_127 = arith.constant 1.000000e+00 : f32
    %div3A_128 = vector.broadcast %div3A_127 : f32 to vector<256x1x16xf32>
    %div3A_129 = arith.divf %div3A_128, %broadcast_in_dim3A_126 : vector<256x1x16xf32>
    %mul3A_130 = vector.broadcast %div3A_129 : vector<256x1x16xf32> to vector<256x16x16xf32>
    %mul3A_131 = arith.mulf %exp3A, %mul3A_130 : vector<256x16x16xf32>
    %concatenate3A = tpu.concatenate %mul3A_131, %mul3A_131, %mul3A_131, %mul3A_131, %mul3A_131, %mul3A_131, %mul3A_131, %mul3A_131 in 2 : vector<256x16x16xf32>, vector<256x16x16xf32>, vector<256x16x16xf32>, vector<256x16x16xf32>, vector<256x16x16xf32>, vector<256x16x16xf32>, vector<256x16x16xf32>, vector<256x16x16xf32> -> vector<256x16x128xf32>
    %get3A_132 = arith.constant 0 : index
    %get3A_133 = arith.constant 0 : index
    %get3A_134 = arith.constant 0 : index
    %get3A_135 = vector.load %arg1[%get3A_132, %get3A_133, %get3A_134] : memref<256x16x128xf32, #tpu.memory_space<vmem>>, vector<256x16x128xf32>
    %add3A_136 = arith.addf %get3A_135, %reshape3A_67 : vector<256x16x128xf32>
    %mul3A_137 = arith.mulf %add3A_136, %concatenate3A : vector<256x16x128xf32>
    %swap3A = arith.constant 0 : index
    %swap3A_138 = arith.constant 0 : index
    %swap3A_139 = arith.constant 0 : index
    %swap3A_140 = vector.load %arg16[%swap3A, %swap3A_138, %swap3A_139] : memref<256x16x128xf32, #tpu.memory_space<vmem>>, vector<256x16x128xf32>
    tpu.vector_store %arg16[%swap3A, %swap3A_138, %swap3A_139], %mul3A_137 {strides = array<i32>} : memref<256x16x128xf32, #tpu.memory_space<vmem>>, vector<256x16x128xf32>,
    return
  }
  func.func @transform_0(%arg0: i32) -> (i32, i32, i32) {
    %c0_i32 = arith.constant 0 : i32
    %c0_i32_0 = arith.constant 0 : i32
    %c0_i32_1 = arith.constant 0 : i32
    return %arg0, %c0_i32, %c0_i32_0 : i32, i32, i32
  }
  func.func @transform_1(%arg0: i32) -> (i32, i32, i32) {
    %c0_i32 = arith.constant 0 : i32
    %c0_i32_0 = arith.constant 0 : i32
    %c0_i32_1 = arith.constant 0 : i32
    return %arg0, %c0_i32, %c0_i32_0 : i32, i32, i32
  }
  func.func @transform_2(%arg0: i32) -> (i32, i32, i32) {
    %c0_i32 = arith.constant 0 : i32
    %c0_i32_0 = arith.constant 0 : i32
    %c0_i32_1 = arith.constant 0 : i32
    return %arg0, %c0_i32, %c0_i32_0 : i32, i32, i32
  }
  func.func @transform_3(%arg0: i32) -> (i32, i32) {
    %c0_i32 = arith.constant 0 : i32
    %c0_i32_0 = arith.constant 0 : i32
    %c0_i32_1 = arith.constant 0 : i32
    return %c0_i32, %c0_i32_0 : i32, i32
  }
  func.func @transform_4(%arg0: i32) -> (i32, i32) {
    %c0_i32 = arith.constant 0 : i32
    %c0_i32_0 = arith.constant 0 : i32
    %c0_i32_1 = arith.constant 0 : i32
    return %c0_i32, %c0_i32_0 : i32, i32
  }
  func.func @transform_5(%arg0: i32) -> (i32, i32) {
    %c0_i32 = arith.constant 0 : i32
    %c0_i32_0 = arith.constant 0 : i32
    %c0_i32_1 = arith.constant 0 : i32
    return %c0_i32, %c0_i32_0 : i32, i32
  }
  func.func @transform_6(%arg0: i32) -> (i32, i32) {
    %c0_i32 = arith.constant 0 : i32
    %c0_i32_0 = arith.constant 0 : i32
    %c0_i32_1 = arith.constant 0 : i32
    return %c0_i32, %c0_i32_0 : i32, i32
  }
  func.func @transform_7(%arg0: i32) -> (i32, i32) {
    %c0_i32 = arith.constant 0 : i32
    %c0_i32_0 = arith.constant 0 : i32
    %c0_i32_1 = arith.constant 0 : i32
    return %c0_i32, %c0_i32_0 : i32, i32
  }
  func.func @transform_8(%arg0: i32) -> (i32, i32) {
    %c0_i32 = arith.constant 0 : i32
    %c0_i32_0 = arith.constant 0 : i32
    %c0_i32_1 = arith.constant 0 : i32
    return %c0_i32, %c0_i32_0 : i32, i32
  }
  func.func @transform_9(%arg0: i32) -> (i32, i32) {
    %c0_i32 = arith.constant 0 : i32
    %c0_i32_0 = arith.constant 0 : i32
    %c0_i32_1 = arith.constant 0 : i32
    return %c0_i32, %c0_i32_0 : i32, i32
  }
  func.func @transform_10(%arg0: i32) -> (i32, i32) {
    %c0_i32 = arith.constant 0 : i32
    %c0_i32_0 = arith.constant 0 : i32
    %c0_i32_1 = arith.constant 0 : i32
    return %c0_i32, %c0_i32_0 : i32, i32
  }
  func.func @transform_11(%arg0: i32) -> (i32, i32) {
    %c0_i32 = arith.constant 0 : i32
    %c0_i32_0 = arith.constant 0 : i32
    %c0_i32_1 = arith.constant 0 : i32
    return %c0_i32, %c0_i32_0 : i32, i32
  }
  func.func @transform_12(%arg0: i32) -> (i32, i32) {
    %c0_i32 = arith.constant 0 : i32
    %c0_i32_0 = arith.constant 0 : i32
    %c0_i32_1 = arith.constant 0 : i32
    return %c0_i32, %c0_i32_0 : i32, i32
  }
  func.func @transform_13(%arg0: i32) -> (i32, i32) {
    %c0_i32 = arith.constant 0 : i32
    %c0_i32_0 = arith.constant 0 : i32
    %c0_i32_1 = arith.constant 0 : i32
    return %c0_i32, %c0_i32_0 : i32, i32
  }
  func.func @transform_14(%arg0: i32) -> (i32, i32) {
    %c0_i32 = arith.constant 0 : i32
    %c0_i32_0 = arith.constant 0 : i32
    %c0_i32_1 = arith.constant 0 : i32
    return %c0_i32, %c0_i32_0 : i32, i32
  }
  func.func @transform_15(%arg0: i32) -> (i32, i32, i32) {
    %c0_i32 = arith.constant 0 : i32
    %c0_i32_0 = arith.constant 0 : i32
    %c0_i32_1 = arith.constant 0 : i32
    return %arg0, %c0_i32, %c0_i32_0 : i32, i32, i32
  }
}

</mosaic_0001>

<sc_bundles>
// kernel: kernel.10.cloned.1.call-start
scs
__scs_entry_jumppad:
0x0: {  	(pc) =	sbr.rel $0x88, $3  }
0x1: {  	(tag) =	ssettag $0x0;
	lr =	simm.s32 $0x1  }
0x2: {  	[smem:$0x3F89] =	sst lr;
	_ =	strace $0xD0000000  }
0x3: {  	_ = 	snop  }
0x4: {  	_ = 	snop  }
0x5: {  	_ = 	snop  }
0x6: {  	_ = 	snop  }
0x7: {  	_ = 	snop  }
__scs_overlays_trampoline_lowered:
0x8: {  	[smem:$0x3F98] =	sst s0  }
0x9: {  	[smem:$0x3F99] =	sst s1  }
0xa: {  	[smem:$0x3F9A] =	sst s2  }
0xb: {  	[smem:$0x3F9B] =	sst s3  }
0xc: {  	[smem:$0x3F9C] =	sst s4  }
0xd: {  	[smem:$0x3F9D] =	sst s5  }
0xe: {  	[smem:$0x3F9E] =	sst s6  }
0xf: {  	[smem:$0x3F9F] =	sst s7  }
0x10: {  	[smem:$0x3FA0] =	sst s8  }
0x11: {  	[smem:$0x3FA1] =	sst s9;
	s0 =	simm.s32 @!p0 $0x0  }
0x12: {  	s1 =	sld [smem:$0x3F87];
	s0 =	simm.s32 @p0 $0x1  }
0x13: {  	[smem:$0x3FA2] =	sst s0;
	s0 =	simm.s32 @!p1 $0x0  }
0x14: {  	s2 =	sld [smem:$0x3F86];
	s0 =	simm.s32 @p1 $0x1  }
0x15: {  	[smem:$0x3FA3] =	sst s0;
	s0 =	simm.s32 @!p2 $0x0  }
0x16: {  	s3 =	sld [smem:$0x3FDB];
	s0 =	simm.s32 @p2 $0x1  }
0x17: {  	s4 =	simm.s32 $0x1BF5;
	[smem:$0x3FA5] =	sst s0  }
0x18: {  	s0 =	sld [smem:$0x3F88];
	_ =	swait.ge [sflag:s4], $0x0  }
0x19: {  	s7 =	sld [smem:$0x3F89]  }
0x1a: {  	s8 =	sadd.s32 $0xFFFFE003, lr  }
0x1b: {  	s9 =	sadd.s32 $0xFFFFFEF7, lr;
	s5 =	simm.s32 $0xFFFFFFFF;
	p2 =	slt.u32 s8, $0xFFFFF086  }
0x1c: {  	p1 =	slt.u32 s9, $0xF7A;
	s5 =	simm.s32 @!p2 $0x0  }
0x1d: {  	s5 =	simm.s32 @p1 $0x1;
	p0 =	seq.s32 s7, s2  }
0x1e: {  	s7 =	smul.u32 @!p0 $0xF7A, s2;
	p2 =	seq.s32 @!p0 s5, $0x0  }
0x1f: {  	s9 =	smul.u32 $0xF7A, s1;
	s8 =	simm.s32 @!p0 $0x1BF5;
	p2 =	por !p2, p0  }
0x20: {  	[sflag:s8] =	ssyncset.s32 @!p0 $0xFFFFF086;
	s6 =	sadd.s32 @!p0 s3, s7;
	s7 =	simm.s32 @!p0 $0x108  }
0x21: {  	s3 =	sadd.s32 s3, s9;
	s6 =	sadd.s32 @!p0 $0x88, s6;
	s7 =	simm.s32 @p2 $0x1082  }
0x22: {  	[simem:s7], [sflag:s8] =	dma.local @!p0 [hbm:s6], $0xF7A  }
0x23: {  	s9 =	sor.u32 $0xD0000000, s2;
	s6 =	simm.s32 $0x108;
	_ =	swait.ge @!p0 [sflag:s8], $0x0  }
0x24: {  	s3 =	sadd.s32 $0x88, s3;
	s6 =	simm.s32 @!p1 $0x1082;
	[sflag:s4] =	ssyncset.s32 $0xFFFFF086  }
0x25: {  	[simem:s6], [sflag:s4] =	dma.local [hbm:s3], $0xF7A  }
0x26: {  	[smem:$0x3F89] =	sst s1;
	(tag) =	ssettag s2;
	_ =	strace s9  }
0x27: {  	s1 =	sld [smem:$0x3F99]  }
0x28: {  	s2 =	sld [smem:$0x3F9A]  }
0x29: {  	s4 =	sld [smem:$0x3F9C]  }
0x2a: {  	p0 =	seq.s32 s5, $0x0;
	s5 =	sld [smem:$0x3F9D]  }
0x2b: {  	s6 =	sld [smem:$0x3F9E]  }
0x2c: {  	s7 =	sld [smem:$0x3F9F]  }
0x2d: {  	s3 =	simm.s32 $0x108;
	s8 =	sld [smem:$0x3FA0]  }
0x2e: {  	s3 =	simm.s32 @!p0 $0x1082;
	s9 =	sld [smem:$0x3FA1]  }
0x2f: {  	lr =	sadd.s32 s0, s3;
	s0 =	sld [smem:$0x3F98]  }
0x30: {  	s3 =	sld [smem:$0x3F9B]  }
0x31: {  	[smem:$0x3FA4] =	sst s10  }
0x32: {  	s10 =	sld [smem:$0x3FA2];
	_ =	sdelay $0x3  }
0x33: {  	p0 =	seq.s32 s10, $0x1;
	s10 =	sld [smem:$0x3FA4];
	_ =	sdelay $0x3  }
0x34: {  	[smem:$0x3FA4] =	sst s10  }
0x35: {  	s10 =	sld [smem:$0x3FA3];
	_ =	sdelay $0x3  }
0x36: {  	p1 =	seq.s32 s10, $0x1;
	s10 =	sld [smem:$0x3FA4];
	_ =	sdelay $0x3  }
0x37: {  	[smem:$0x3FA4] =	sst s10  }
0x38: {  	s10 =	sld [smem:$0x3FA5]  }
0x39: {  	_ = 	snop;
	(pc) =	sbr.ind lr, $3  }
0x3a: {  	_ = 	snop  }
0x3b: {  	_ = 	snop  }
0x3c: {  	p2 =	seq.s32 s10, $0x1;
	s10 =	sld [smem:$0x3FA4]  }
0x3d: {  	_ =	shalt  }
0x3e: {  	_ =	shalt  }
0x3f: {  	_ =	shalt  }
0x40: {  	_ =	shalt  }
0x41: {  	_ =	shalt  }
0x42: {  	_ =	shalt  }
0x43: {  	_ =	shalt  }
0x44: {  	_ =	shalt  }
0x45: {  	_ =	shalt  }
0x46: {  	_ =	shalt  }
0x47: {  	_ =	shalt  }
0x48: {  	_ =	shalt  }
0x49: {  	_ =	shalt  }
0x4a: {  	_ =	shalt  }
0x4b: {  	_ =	shalt  }
0x4c: {  	_ =	shalt  }
0x4d: {  	_ =	shalt  }
0x4e: {  	_ =	shalt  }
0x4f: {  	_ =	shalt  }
0x50: {  	_ =	shalt  }
0x51: {  	_ =	shalt  }
0x52: {  	_ =	shalt  }
0x53: {  	_ =	shalt  }
0x54: {  	_ =	shalt  }
0x55: {  	_ =	shalt  }
0x56: {  	_ =	shalt  }
0x57: {  	_ =	shalt  }
0x58: {  	_ =	shalt  }
0x59: {  	_ =	shalt  }
0x5a: {  	_ =	shalt  }
0x5b: {  	_ =	shalt  }
0x5c: {  	_ =	shalt  }
0x5d: {  	_ =	shalt  }
0x5e: {  	_ =	shalt  }
0x5f: {  	_ =	shalt  }
0x60: {  	_ =	shalt  }
0x61: {  	_ =	shalt  }
0x62: {  	_ =	shalt  }
0x63: {  	_ =	shalt  }
0x64: {  	_ =	shalt  }
0x65: {  	_ =	shalt  }
0x66: {  	_ =	shalt  }
0x67: {  	_ =	shalt  }
0x68: {  	_ =	shalt  }
0x69: {  	_ =	shalt  }
0x6a: {  	_ =	shalt  }
0x6b: {  	_ =	shalt  }
0x6c: {  	_ =	shalt  }
0x6d: {  	_ =	shalt  }
0x6e: {  	_ =	shalt  }
0x6f: {  	_ =	shalt  }
0x70: {  	_ =	shalt  }
0x71: {  	_ =	shalt  }
0x72: {  	_ =	shalt  }
0x73: {  	_ =	shalt  }
0x74: {  	_ =	shalt  }
0x75: {  	_ =	shalt  }
0x76: {  	_ =	shalt  }
0x77: {  	_ =	shalt  }
0x78: {  	_ =	shalt  }
0x79: {  	_ =	shalt  }
0x7a: {  	_ =	shalt  }
0x7b: {  	_ =	shalt  }
0x7c: {  	_ =	shalt  }
0x7d: {  	_ =	shalt  }
0x7e: {  	_ =	shalt  }
0x7f: {  	_ =	shalt  }
0x80: {  	_ =	shalt  }
0x81: {  	_ =	shalt  }
0x82: {  	_ =	shalt  }
0x83: {  	_ =	shalt  }
0x84: {  	_ =	shalt  }
0x85: {  	_ =	shalt  }
0x86: {  	_ =	shalt  }
0x87: {  	_ =	shalt  }
.Lfunc_end0:
.L_simem_size_0:
called_computation_lowered:
.L_overlay_start_0:
0x88: {  	s2 =	sld [smem:$0x3FD9]  }
0x89: {  	s3 =	sld [smem:$0x3FFE];
	_ =	sdelay $0x1  }
0x8a: {  	s1 =	srdreg.scid  }
0x8b: {  	s0 =	sand.u32 $0x1, s1  }
0x8c: {  	s14 =	sshll.u32 s0, $0xA;
	s2 =	sadd.s32 s3, s2  }
0x8d: {  	s2 =	sadd.s32 s2, s14  }
0x8e: {  	[smem:$0x3FB0] =	sst s2  }
0x8f: {  	_ = 	snop  }
0x90: {  	s2 =	sld [smem:$0x3FD0];
	_ =	sdelay $0x2  }
0x91: {  	s15 =	simm.s32 $0xB;
	s4 =	simm.s32 $0x10  }
0x92: {  	[smem:s4], [sflag:s15] =	dma.local [hbm:s2], $0x1  }
0x93: {  	_ =	swait.eq [sflag:s15], $0x1  }
0x94: {  	[sflag:s15] =	ssyncset.done $0x0  }
0x95: {  	[sflag:s15] =	ssyncadd.s32 $0xFFFFFFFF  }
0x96: {  	s16 =	sld [smem:$0x10];
	(tm) =	ssettm $0x1  }
0x97: {  	s17 =	sld [smem:$0x3FFB];
	_ =	sdelay $0x3  }
0x98: {  	_ =	strace s17  }
0x99: {  	s3 =	sld [smem:$0x3FFC];
	_ =	sdelay $0x3  }
0x9a: {  	_ =	strace s3  }
0x9b: {  	s3 =	sld [smem:$0x3FFD];
	_ =	sdelay $0x3  }
0x9c: {  	_ =	strace s3  }
0x9d: {  	_ =	strace $0x8FFFFFFF  }
0x9e: {  	s18 =	sld [smem:$0x3FDB];
	_ =	sdelay $0x1  }
0x9f: {  	s19 =	simm.s32 $_scs_section_size  }
0xa0: {  	s5 =	simm.s32 $_size__tile_overlayer_lowered;
	s6 =	simm.s32 $_tile_overlayer_lowered  }
0xa1: {  	s22 =	simm.s32 $0x1BFF;
	s21 =	sshll.u32 s6, $0x1;
	s3 =	sadd.s32 s19, s18  }
0xa2: {  	s7 =	simm.s32 $0x0;
	s20 =	sshll.u32 s5, $0x1;
	s5 =	sadd.s32 s21, s3  }
0xa3: {  	[timem:s7], [sflag:s22] =	dma.local [hbm:s5], s20  }
0xa4: {  	_ =	swait.ge [sflag:s22], s20  }
0xa5: {  	s4 =	ssub.s32 $0x0, s20;
	[sflag:s22] =	ssyncset.done $0x0  }
0xa6: {  	[sflag:s22] =	ssyncadd.s32 s4;
	_ =	sdelay $0x1  }
0xa7: {  	s23 =	simm.s32 $0x1B8B  }
0xa8: {  	_ =	swait.ge [sflag:s23], $0x1  }
0xa9: {  	[sflag:s23] =	ssyncset.done $0x0  }
0xaa: {  	s25 =	simm.s32 $0x1B8E;
	s24 =	sld [smem:$0x3FFE];
	[sflag:s23] =	ssyncadd.s32 $0xFFFFFFFF  }
0xab: {  	s26 =	simm.s32 $execute0_lowered;
	[smem:$0x3FD2] =	sst s25  }
0xac: {  	s5 =	sshll.u32 s26, $0x1;
	_ =	strace $0x80000046;
	[dreg:$0x1] =	wrdreg $0xFFFFFFFF  }
0xad: {  	s28 =	simm.s32 $_size_execute0_lowered;
	s3 =	sadd.s32 s3, s5;
	[dreg:$0x0] =	wrdreg $0x0  }
0xae: {  	s5 =	sshll.u32 s28, $0x1;
	[dreg:$0x2] =	wrdreg s3  }
0xaf: {  	[dreg:$0x3] =	wrdreg s5  }
0xb0: {  	[dreg:$0x4] =	wrdreg $0xC0  }
0xb1: {  	_ =	task [dreg:s7], $0x5FFFF  }
0xb2: {  	[dreg:$0x1] =	wrdreg $0xFFFFFFFF  }
0xb3: {  	[dreg:$0x0] =	wrdreg $0x60  }
0xb4: {  	[dreg:$0x2] =	wrdreg s16  }
0xb5: {  	[dreg:$0x3] =	wrdreg s24  }
0xb6: {  	[dreg:$0x4] =	wrdreg $0x9  }
0xb7: {  	_ =	task.clear_ibuf [dreg:s7], $0x5FFFF;
	_ =	strace $0x90000046  }
0xb8: {  	s29 =	simm.s32 $0x9;
	_ =	strace $0x80000048  }
0xb9: {  	_ =	swait.ge [sflag:s29], $0x1  }
0xba: {  	[sflag:s29] =	ssyncadd.s32 $0xFFFFFFFF  }
0xbb: {  	_ =	strace $0x90000048  }
0xbc: {  	_ =	sfence  }
0xbd: {  	s30 =	sld [smem:$0x0];
	_ =	sdelay $0x2  }
0xbe: {  	s31 =	sshll.u32 s1, $0xD;
	s1 =	sshrl.u32 s1, $0x2  }
0xbf: {  	s3 =	sand.u32 $0x4000, s31;
	s1 =	sadd.s32 s1, s30  }
0xc0: {  	s0 =	sor.u32 s3, s0;
	s1 =	sshll.u32 s1, $0x11  }
0xc1: {  	s0 =	sor.u32 s1, s0  }
0xc2: {  	s0 =	sadd.s32 $0x8F2B, s0  }
0xc3: {  	[sflag:s0] =	ssyncadd.remote.s32 $0x1  }
0xc4: {  	_ =	sfence.sel $0xFFFF  }
0xc5: {  	[dreg:$0x0] =	wrdreg $0xFFFFFFFF;
	(pc) =	sbr.abs _section_cstart, $3  }
0xc6: {  	[dreg:$0x1] =	wrdreg $0xFFFFFFFF  }
0xc7: {  	_ =	task.clear_ibuf [dreg:s7], $0x2FFFF;
	_ =	strace $0x9FFFFFFF  }
0xc8: {  	(tm) =	ssettm $0x7FFFFFFF  }
0xc9: {  	_ =	shalt  }
tec
execute0_lowered:
.L_overlay_start_1:
0x0: {  	(tag) =	ssettag $0x1  }
0x1: {  	s1 =	rddreg [dreg:$0x0]  }
0x2: {  	s4 =	rddreg [dreg:$0x1]  }
0x3: {  	s0 =	rddreg [dreg:$0x2];
	s5 =	srdreg.scid  }
0x4: {  	s3 =	simm.s32 $0x0;
	s2 =	stileid.u32;
	s10 =	simm.s32 $0x0  }
0x5: {  	s5 =	sand.u32 $0x1, s5;
	[smem:$0x7FF] =	sst s3;
	s6 =	sshll.u32 s2, $0xD  }
0x6: {  	s8 =	sshll.u32 s2, $0x11;
	s7 =	sshll.u32 s5, $0xC;
	_ =	strace $0x80000047  }
0x7: {  	s31 =	ssub.s32 $0x2, s5;
	s8 =	sadd.s32 s8, s4;
	s5 =	sshll.u32 s5, $0x10  }
0x8: {  	s6 =	sor.u32 s7, s6;
	s9 =	sshrl.u32 s31, $0x1;
	s5 =	sadd.s32 s5, s8  }
0x9: {  	s8 =	simm.s32 $0x80;
	s6 =	sshrl.u32 s6, $0x3;
	s7 =	ssub.s32 s31, s9  }
0xa: {  	s5 =	sadd.s32 $0x68C00, s5;
	s9 =	simm.s32 $0x1;
	s6 =	sadd.s32 s6, s4  }
0xb: {  	s4 =	smax.u32 s7, $0x1;
	s7 =	simm.s32 $0x2;
	s6 =	sadd.s32 $0x44C00, s6  }
.LBB2_1:
0xc: {  	s11 =	sadd.s32 $0x0, s6  }
0xd: {  	[tilespmem:s3], [sflag:$0x2] =	stream.linear.gather [hbm4b:s11+s3], $0x80, $0x38;
	[tilespmem:$0x4080] =	vst v63  }
0xe: {  	_ =	swait.ge [sflag:s7], $0x80  }
0xf: {  	[sflag:s7] =	ssyncset.done $0x0  }
0x10: {  	[sflag:s7] =	ssyncadd.s32 $0xFFFFFF80  }
0x11: {  	[tilespmem:s8], [sflag:$0x1] =	stream.indirect.gather [hbm4b:s1+s8], $0x80, s3, s8, $0xb8;
	[tilespmem:$0x4080] =	vst v63  }
0x12: {  	_ =	swait.ge [sflag:s9], $0x4000  }
0x13: {  	[sflag:s9] =	ssyncset.done $0x0  }
0x14: {  	[sflag:s9] =	ssyncadd.s32 $0xFFFFC000  }
0x15: {  	[hbm4b:s5+s3] =	stream.linear.scatter [tilespmem:s8], [sflag:$0x2], $0x4000, $0x38;
	[tilespmem:$0x4080] =	vst v63  }
0x16: {  	s12 =	simm.s32 $0x10;
	_ =	swait.ge [sflag:s7], $0x4000  }
0x17: {  	s13 =	simm.s32 $0x20;
	s11 =	sadd.s32 $0x800, s5;
	[sflag:s7] =	ssyncset.done $0x0  }
.LBB2_2:
0x18: {  	s14 =	sadd.s32 s12, s6  }
0x19: {  	[sflag:s7] =	ssyncadd.s32 $0xFFFFC000;
	s12 =	smov.u32 s13;
	s15 =	sadd.s32 $0x10, s13  }
0x1a: {  	[tilespmem:s3], [sflag:$0x2] =	stream.linear.gather [hbm4b:s14+s3], $0x80, $0x38;
	[tilespmem:$0x4080] =	vst v63  }
0x1b: {  	p0 =	sne.s32 s13, $0x1F0;
	_ =	swait.ge [sflag:s7], $0x80  }
0x1c: {  	[sflag:s7] =	ssyncset.done $0x0  }
0x1d: {  	[sflag:s7] =	ssyncadd.s32 $0xFFFFFF80  }
0x1e: {  	[tilespmem:s8], [sflag:$0x1] =	stream.indirect.gather [hbm4b:s1+s8], $0x80, s3, s8, $0xb8;
	[tilespmem:$0x4080] =	vst v63  }
0x1f: {  	_ =	swait.ge [sflag:s9], $0x4000  }
.Ltmp0:
0x20: {  	[sflag:s9] =	ssyncset.done $0x0;
	(pc) =	sbr.rel @p0 .LBB2_2-.Ltmp0, $4  }
0x21: {  	[sflag:s9] =	ssyncadd.s32 $0xFFFFC000  }
0x22: {  	[hbm4b:s11+s3] =	stream.linear.scatter [tilespmem:s8], [sflag:$0x2], $0x4000, $0x38;
	[tilespmem:$0x4080] =	vst v63  }
0x23: {  	_ =	swait.ge [sflag:s7], $0x4000  }
0x24: {  	s13 =	smov.u32 s15;
	s11 =	sadd.s32 $0x800, s11;
	[sflag:s7] =	ssyncset.done $0x0  }
0x25: {  	s12 =	sadd.s32 s12, s6;
	[sflag:s7] =	ssyncadd.s32 $0xFFFFC000  }
0x26: {  	[tilespmem:s3], [sflag:$0x2] =	stream.linear.gather [hbm4b:s12+s3], $0x80, $0x38;
	[tilespmem:$0x4080] =	vst v63  }
0x27: {  	_ =	swait.ge [sflag:s7], $0x80  }
0x28: {  	[sflag:s7] =	ssyncset.done $0x0  }
0x29: {  	[sflag:s7] =	ssyncadd.s32 $0xFFFFFF80  }
0x2a: {  	[tilespmem:s8], [sflag:$0x1] =	stream.indirect.gather [hbm4b:s1+s8], $0x80, s3, s8, $0xb8;
	[tilespmem:$0x4080] =	vst v63  }
0x2b: {  	s10 =	sadd.s32 $0x1, s10;
	_ =	swait.ge [sflag:s9], $0x4000  }
0x2c: {  	p0 =	sne.s32 s10, s4;
	[sflag:s9] =	ssyncset.done $0x0  }
.Ltmp1:
0x2d: {  	[sflag:s9] =	ssyncadd.s32 $0xFFFFC000;
	(pc) =	sbr.rel @p0 .LBB2_1-.Ltmp1, $4  }
0x2e: {  	[hbm4b:s11+s3] =	stream.linear.scatter [tilespmem:s8], [sflag:$0x2], $0x4000, $0x38;
	[tilespmem:$0x4080] =	vst v63  }
0x2f: {  	_ =	swait.ge [sflag:s7], $0x4000  }
0x30: {  	[sflag:s7] =	ssyncset.done $0x0  }
0x31: {  	[sflag:s7] =	ssyncadd.s32 $0xFFFFC000  }
0x32: {  	_ =	sfence.sel $0x180000  }
0x33: {  	[bflag:$0x0] =	sbarrier.arrive $0xFFFF  }
0x34: {  	p0 =	sne.s32 s2, $0x0;
	_ =	strace $0x90000047  }
0x35: {  	s0 =	sadd.s32 @!p0 $0x100000, s0;
	[bflag:$0x2] =	sbarrier.arrive $0xFFFF  }
0x36: {  	[sflag:s0] =	ssyncadd.tile.s32 @!p0 $0x1;
	_ =	shalt  }
.Lfunc_end2:
_tile_overlayer_lowered:
.L_overlay_start_2:
0x37: {  	(tag) =	ssettag $0x2  }
0x38: {  	s0 =	rddreg [dreg:$0x0];
	s2 =	stileid.u32  }
0x39: {  	s1 =	rddreg [dreg:$0x1];
	p0 =	sne.s32 s2, $0x0  }
0x3a: {  	s3 =	rddreg [dreg:$0x2];
	[bflag:$0x3] =	sbarrier.arrive $0xFFFF;
	s2 =	simm.s32 @!p0 $0x1C02  }
0x3b: {  	[timem:s3], [sflag:s2] =	dma.local @!p0 [hbm:s0], s1  }
0x3c: {  	s0 =	simm.s32 @!p0 $0x2  }
0x3d: {  	_ =	swait.ge @!p0 [sflag:s0], s1  }
0x3e: {  	s1 =	ssub.s32 @!p0 $0x0, s1;
	[sflag:s0] =	ssyncset.done @!p0 $0x0  }
0x3f: {  	[sflag:s0] =	ssyncadd.s32 @!p0 s1  }
0x40: {  	[bflag:$0x3] =	sbarrier.arrive $0xFFFF  }
0x41: {  	_ =	shalt  }

// kernel: kernel.13.cloned.1.call-start
scs
__scs_entry_jumppad:
0x0: {  	(pc) =	sbr.rel $0x88, $3  }
0x1: {  	(tag) =	ssettag $0x0;
	lr =	simm.s32 $0x1  }
0x2: {  	[smem:$0x3F89] =	sst lr;
	_ =	strace $0xD0000000  }
0x3: {  	_ = 	snop  }
0x4: {  	_ = 	snop  }
0x5: {  	_ = 	snop  }
0x6: {  	_ = 	snop  }
0x7: {  	_ = 	snop  }
__scs_overlays_trampoline_lowered:
0x8: {  	[smem:$0x3F98] =	sst s0  }
0x9: {  	[smem:$0x3F99] =	sst s1  }
0xa: {  	[smem:$0x3F9A] =	sst s2  }
0xb: {  	[smem:$0x3F9B] =	sst s3  }
0xc: {  	[smem:$0x3F9C] =	sst s4  }
0xd: {  	[smem:$0x3F9D] =	sst s5  }
0xe: {  	[smem:$0x3F9E] =	sst s6  }
0xf: {  	[smem:$0x3F9F] =	sst s7  }
0x10: {  	[smem:$0x3FA0] =	sst s8  }
0x11: {  	[smem:$0x3FA1] =	sst s9;
	s0 =	simm.s32 @!p0 $0x0  }
0x12: {  	s1 =	sld [smem:$0x3F87];
	s0 =	simm.s32 @p0 $0x1  }
0x13: {  	[smem:$0x3FA2] =	sst s0;
	s0 =	simm.s32 @!p1 $0x0  }
0x14: {  	s2 =	sld [smem:$0x3F86];
	s0 =	simm.s32 @p1 $0x1  }
0x15: {  	[smem:$0x3FA3] =	sst s0;
	s0 =	simm.s32 @!p2 $0x0  }
0x16: {  	s3 =	sld [smem:$0x3FDB];
	s0 =	simm.s32 @p2 $0x1  }
0x17: {  	s4 =	simm.s32 $0x1BF5;
	[smem:$0x3FA5] =	sst s0  }
0x18: {  	s0 =	sld [smem:$0x3F88];
	_ =	swait.ge [sflag:s4], $0x0  }
0x19: {  	s7 =	sld [smem:$0x3F89]  }
0x1a: {  	s8 =	sadd.s32 $0xFFFFE003, lr  }
0x1b: {  	s9 =	sadd.s32 $0xFFFFFEF7, lr;
	s5 =	simm.s32 $0xFFFFFFFF;
	p2 =	slt.u32 s8, $0xFFFFF086  }
0x1c: {  	p1 =	slt.u32 s9, $0xF7A;
	s5 =	simm.s32 @!p2 $0x0  }
0x1d: {  	s5 =	simm.s32 @p1 $0x1;
	p0 =	seq.s32 s7, s2  }
0x1e: {  	s7 =	smul.u32 @!p0 $0xF7A, s2;
	p2 =	seq.s32 @!p0 s5, $0x0  }
0x1f: {  	s9 =	smul.u32 $0xF7A, s1;
	s8 =	simm.s32 @!p0 $0x1BF5;
	p2 =	por !p2, p0  }
0x20: {  	[sflag:s8] =	ssyncset.s32 @!p0 $0xFFFFF086;
	s6 =	sadd.s32 @!p0 s3, s7;
	s7 =	simm.s32 @!p0 $0x108  }
0x21: {  	s3 =	sadd.s32 s3, s9;
	s6 =	sadd.s32 @!p0 $0x88, s6;
	s7 =	simm.s32 @p2 $0x1082  }
0x22: {  	[simem:s7], [sflag:s8] =	dma.local @!p0 [hbm:s6], $0xF7A  }
0x23: {  	s9 =	sor.u32 $0xD0000000, s2;
	s6 =	simm.s32 $0x108;
	_ =	swait.ge @!p0 [sflag:s8], $0x0  }
0x24: {  	s3 =	sadd.s32 $0x88, s3;
	s6 =	simm.s32 @!p1 $0x1082;
	[sflag:s4] =	ssyncset.s32 $0xFFFFF086  }
0x25: {  	[simem:s6], [sflag:s4] =	dma.local [hbm:s3], $0xF7A  }
0x26: {  	[smem:$0x3F89] =	sst s1;
	(tag) =	ssettag s2;
	_ =	strace s9  }
0x27: {  	s1 =	sld [smem:$0x3F99]  }
0x28: {  	s2 =	sld [smem:$0x3F9A]  }
0x29: {  	s4 =	sld [smem:$0x3F9C]  }
0x2a: {  	p0 =	seq.s32 s5, $0x0;
	s5 =	sld [smem:$0x3F9D]  }
0x2b: {  	s6 =	sld [smem:$0x3F9E]  }
0x2c: {  	s7 =	sld [smem:$0x3F9F]  }
0x2d: {  	s3 =	simm.s32 $0x108;
	s8 =	sld [smem:$0x3FA0]  }
0x2e: {  	s3 =	simm.s32 @!p0 $0x1082;
	s9 =	sld [smem:$0x3FA1]  }
0x2f: {  	lr =	sadd.s32 s0, s3;
	s0 =	sld [smem:$0x3F98]  }
0x30: {  	s3 =	sld [smem:$0x3F9B]  }
0x31: {  	[smem:$0x3FA4] =	sst s10  }
0x32: {  	s10 =	sld [smem:$0x3FA2];
	_ =	sdelay $0x3  }
0x33: {  	p0 =	seq.s32 s10, $0x1;
	s10 =	sld [smem:$0x3FA4];
	_ =	sdelay $0x3  }
0x34: {  	[smem:$0x3FA4] =	sst s10  }
0x35: {  	s10 =	sld [smem:$0x3FA3];
	_ =	sdelay $0x3  }
0x36: {  	p1 =	seq.s32 s10, $0x1;
	s10 =	sld [smem:$0x3FA4];
	_ =	sdelay $0x3  }
0x37: {  	[smem:$0x3FA4] =	sst s10  }
0x38: {  	s10 =	sld [smem:$0x3FA5]  }
0x39: {  	_ = 	snop;
	(pc) =	sbr.ind lr, $3  }
0x3a: {  	_ = 	snop  }
0x3b: {  	_ = 	snop  }
0x3c: {  	p2 =	seq.s32 s10, $0x1;
	s10 =	sld [smem:$0x3FA4]  }
0x3d: {  	_ =	shalt  }
0x3e: {  	_ =	shalt  }
0x3f: {  	_ =	shalt  }
0x40: {  	_ =	shalt  }
0x41: {  	_ =	shalt  }
0x42: {  	_ =	shalt  }
0x43: {  	_ =	shalt  }
0x44: {  	_ =	shalt  }
0x45: {  	_ =	shalt  }
0x46: {  	_ =	shalt  }
0x47: {  	_ =	shalt  }
0x48: {  	_ =	shalt  }
0x49: {  	_ =	shalt  }
0x4a: {  	_ =	shalt  }
0x4b: {  	_ =	shalt  }
0x4c: {  	_ =	shalt  }
0x4d: {  	_ =	shalt  }
0x4e: {  	_ =	shalt  }
0x4f: {  	_ =	shalt  }
0x50: {  	_ =	shalt  }
0x51: {  	_ =	shalt  }
0x52: {  	_ =	shalt  }
0x53: {  	_ =	shalt  }
0x54: {  	_ =	shalt  }
0x55: {  	_ =	shalt  }
0x56: {  	_ =	shalt  }
0x57: {  	_ =	shalt  }
0x58: {  	_ =	shalt  }
0x59: {  	_ =	shalt  }
0x5a: {  	_ =	shalt  }
0x5b: {  	_ =	shalt  }
0x5c: {  	_ =	shalt  }
0x5d: {  	_ =	shalt  }
0x5e: {  	_ =	shalt  }
0x5f: {  	_ =	shalt  }
0x60: {  	_ =	shalt  }
0x61: {  	_ =	shalt  }
0x62: {  	_ =	shalt  }
0x63: {  	_ =	shalt  }
0x64: {  	_ =	shalt  }
0x65: {  	_ =	shalt  }
0x66: {  	_ =	shalt  }
0x67: {  	_ =	shalt  }
0x68: {  	_ =	shalt  }
0x69: {  	_ =	shalt  }
0x6a: {  	_ =	shalt  }
0x6b: {  	_ =	shalt  }
0x6c: {  	_ =	shalt  }
0x6d: {  	_ =	shalt  }
0x6e: {  	_ =	shalt  }
0x6f: {  	_ =	shalt  }
0x70: {  	_ =	shalt  }
0x71: {  	_ =	shalt  }
0x72: {  	_ =	shalt  }
0x73: {  	_ =	shalt  }
0x74: {  	_ =	shalt  }
0x75: {  	_ =	shalt  }
0x76: {  	_ =	shalt  }
0x77: {  	_ =	shalt  }
0x78: {  	_ =	shalt  }
0x79: {  	_ =	shalt  }
0x7a: {  	_ =	shalt  }
0x7b: {  	_ =	shalt  }
0x7c: {  	_ =	shalt  }
0x7d: {  	_ =	shalt  }
0x7e: {  	_ =	shalt  }
0x7f: {  	_ =	shalt  }
0x80: {  	_ =	shalt  }
0x81: {  	_ =	shalt  }
0x82: {  	_ =	shalt  }
0x83: {  	_ =	shalt  }
0x84: {  	_ =	shalt  }
0x85: {  	_ =	shalt  }
0x86: {  	_ =	shalt  }
0x87: {  	_ =	shalt  }
.Lfunc_end0:
.L_simem_size_0:
called_computation.1_lowered:
.L_overlay_start_0:
0x88: {  	s2 =	sld [smem:$0x3FD9]  }
0x89: {  	s3 =	sld [smem:$0x3FFE];
	_ =	sdelay $0x1  }
0x8a: {  	s1 =	srdreg.scid  }
0x8b: {  	s0 =	sand.u32 $0x1, s1  }
0x8c: {  	s17 =	sshll.u32 s0, $0xA;
	s2 =	sadd.s32 s3, s2  }
0x8d: {  	s2 =	sadd.s32 s2, s17  }
0x8e: {  	[smem:$0x3FB0] =	sst s2  }
0x8f: {  	_ = 	snop  }
0x90: {  	(tm) =	ssettm $0x1  }
0x91: {  	s18 =	sld [smem:$0x3FFB];
	_ =	sdelay $0x3  }
0x92: {  	_ =	strace s18  }
0x93: {  	s2 =	sld [smem:$0x3FFC];
	_ =	sdelay $0x3  }
0x94: {  	_ =	strace s2  }
0x95: {  	s2 =	sld [smem:$0x3FFD];
	_ =	sdelay $0x3  }
0x96: {  	_ =	strace s2  }
0x97: {  	_ =	strace $0x8FFFFFFF  }
0x98: {  	s19 =	sld [smem:$0x3FDB];
	_ =	sdelay $0x1  }
0x99: {  	s20 =	simm.s32 $_scs_section_size  }
0x9a: {  	s4 =	simm.s32 $_size__tile_overlayer_lowered;
	s5 =	simm.s32 $_tile_overlayer_lowered  }
0x9b: {  	s6 =	simm.s32 $0x1BFF;
	s21 =	sshll.u32 s5, $0x1;
	s3 =	sadd.s32 s20, s19  }
0x9c: {  	s22 =	simm.s32 $0x0;
	s4 =	sshll.u32 s4, $0x1;
	s5 =	sadd.s32 s21, s3  }
0x9d: {  	[timem:s22], [sflag:s6] =	dma.local [hbm:s5], s4  }
0x9e: {  	_ =	swait.ge [sflag:s6], s4  }
0x9f: {  	s4 =	ssub.s32 $0x0, s4;
	[sflag:s6] =	ssyncset.done $0x0  }
0xa0: {  	[sflag:s6] =	ssyncadd.s32 s4;
	_ =	sdelay $0x1  }
0xa1: {  	s23 =	simm.s32 $0x1B8B  }
0xa2: {  	_ =	swait.ge [sflag:s23], $0x1  }
0xa3: {  	[sflag:s23] =	ssyncset.done $0x0  }
0xa4: {  	[sflag:s23] =	ssyncadd.s32 $0xFFFFFFFF  }
0xa5: {  	s4 =	sld [smem:$0x0]  }
0xa6: {  	s5 =	sand.u32 $0xFFFFFFFE, s1  }
0xa7: {  	p0 =	sne.s32 s1, s5  }
0xa8: {  	s5 =	sshll.u32 @p0 s5, $0xE  }
0xa9: {  	s5 =	sadd.s32 @p0 $0x11B8D, s5;
	s6 =	sshll.u32 @p0 s4, $0x11  }
0xaa: {  	s5 =	sor.u32 @p0 s6, s5  }
0xab: {  	[sflag:s5] =	ssyncadd.remote.s32 @p0 $0x1;
	_ =	sdelay $0x1  }
0xac: {  	s5 =	simm.s32 @p0 $0x1B8D  }
0xad: {  	_ =	swait.eq @p0 [sflag:s5], $0x1  }
0xae: {  	[sflag:s5] =	ssyncadd.s32 @p0 $0xFFFFFFFF  }
0xaf: {  	s6 =	sshll.u32 @!p0 s1, $0xE  }
0xb0: {  	s6 =	sor.u32 @!p0 $0x4000, s6;
	s5 =	simm.s32 @!p0 $0x1B8D  }
0xb1: {  	s4 =	sshll.u32 @!p0 s4, $0x11;
	s6 =	sadd.s32 @!p0 $0x11B8D, s6;
	_ =	swait.eq @!p0 [sflag:s5], $0x1  }
0xb2: {  	s4 =	sor.u32 @!p0 s4, s6;
	[sflag:s5] =	ssyncadd.s32 @!p0 $0xFFFFFFFF  }
0xb3: {  	s25 =	simm.s32 $0x1B8E;
	s24 =	sld [smem:$0x3FFE];
	[sflag:s4] =	ssyncadd.remote.s32 @!p0 $0x1  }
0xb4: {  	s26 =	simm.s32 $execute0_lowered;
	[smem:$0x3FD2] =	sst s25  }
0xb5: {  	s5 =	sshll.u32 s26, $0x1;
	_ =	strace $0x80000049;
	[dreg:$0x1] =	wrdreg $0xFFFFFFFF  }
0xb6: {  	s28 =	simm.s32 $_size_execute0_lowered;
	s3 =	sadd.s32 s3, s5;
	[dreg:$0x0] =	wrdreg $0x0  }
0xb7: {  	s5 =	sshll.u32 s28, $0x1;
	[dreg:$0x2] =	wrdreg s3  }
0xb8: {  	[dreg:$0x3] =	wrdreg s5  }
0xb9: {  	[dreg:$0x4] =	wrdreg $0xC0  }
0xba: {  	_ =	task [dreg:s22], $0x5FFFF  }
0xbb: {  	[dreg:$0x1] =	wrdreg $0xFFFFFFFF  }
0xbc: {  	[dreg:$0x0] =	wrdreg $0x60  }
0xbd: {  	[dreg:$0x2] =	wrdreg s24  }
0xbe: {  	[dreg:$0x3] =	wrdreg $0xA  }
0xbf: {  	_ =	task.clear_ibuf [dreg:s22], $0x4FFFF;
	_ =	strace $0x90000049  }
0xc0: {  	s29 =	simm.s32 $0xA;
	_ =	strace $0x8000004B  }
0xc1: {  	_ =	swait.ge [sflag:s29], $0x1  }
0xc2: {  	[sflag:s29] =	ssyncadd.s32 $0xFFFFFFFF  }
0xc3: {  	_ =	strace $0x9000004B  }
0xc4: {  	_ =	sfence  }
0xc5: {  	s30 =	sld [smem:$0x0];
	_ =	sdelay $0x2  }
0xc6: {  	s31 =	sshll.u32 s1, $0xD;
	s1 =	sshrl.u32 s1, $0x2  }
0xc7: {  	s4 =	sand.u32 $0x4000, s31;
	s1 =	sadd.s32 s1, s30  }
0xc8: {  	s0 =	sor.u32 s4, s0;
	s1 =	sshll.u32 s1, $0x11  }
0xc9: {  	s0 =	sor.u32 s1, s0  }
0xca: {  	s0 =	sadd.s32 $0x8F2B, s0  }
0xcb: {  	[sflag:s0] =	ssyncadd.remote.s32 $0x1  }
0xcc: {  	_ =	sfence.sel $0xFFFF  }
0xcd: {  	[dreg:$0x0] =	wrdreg $0xFFFFFFFF;
	(pc) =	sbr.abs _section_cstart, $3  }
0xce: {  	[dreg:$0x1] =	wrdreg $0xFFFFFFFF  }
0xcf: {  	_ =	task.clear_ibuf [dreg:s22], $0x2FFFF;
	_ =	strace $0x9FFFFFFF  }
0xd0: {  	(tm) =	ssettm $0x7FFFFFFF  }
0xd1: {  	_ =	shalt  }
tec
execute0_lowered:
.L_overlay_start_1:
0x0: {  	(tag) =	ssettag $0x1  }
0x1: {  	s4 =	rddreg [dreg:$0x0]  }
0x2: {  	s0 =	rddreg [dreg:$0x1];
	s2 =	simm.s32 $0x0;
	s3 =	srdreg.scid  }
0x3: {  	s1 =	stileid.u32;
	s10 =	simm.s32 $0x0;
	[smem:$0x7FF] =	sst s2  }
0x4: {  	s5 =	sand.u32 $0x1, s3;
	s6 =	sshll.u32 s1, $0xD;
	s3 =	sadd.s32 $0x48C00, s4  }
0x5: {  	s8 =	sshll.u32 s1, $0x11;
	_ =	strace $0x8000004A;
	s7 =	sshll.u32 s5, $0xC  }
0x6: {  	s31 =	ssub.s32 $0x2, s5;
	s8 =	sadd.s32 s8, s4;
	s5 =	sshll.u32 s5, $0x10  }
0x7: {  	s6 =	sor.u32 s7, s6;
	s9 =	sshrl.u32 s31, $0x1;
	s5 =	sadd.s32 s5, s8  }
0x8: {  	s8 =	simm.s32 $0x80;
	s6 =	sshrl.u32 s6, $0x3;
	s7 =	ssub.s32 s31, s9  }
0x9: {  	s5 =	sadd.s32 $0x268C00, s5;
	s9 =	simm.s32 $0x1;
	s6 =	sadd.s32 s6, s4  }
0xa: {  	s4 =	smax.u32 s7, $0x1;
	s7 =	simm.s32 $0x2;
	s6 =	sadd.s32 $0x44C00, s6  }
.LBB2_1:
0xb: {  	s11 =	sadd.s32 $0x0, s6  }
0xc: {  	[tilespmem:s2], [sflag:$0x2] =	stream.linear.gather [hbm4b:s11+s2], $0x80, $0x38;
	[tilespmem:$0x4080] =	vst v63  }
0xd: {  	_ =	swait.ge [sflag:s7], $0x80  }
0xe: {  	[sflag:s7] =	ssyncset.done $0x0  }
0xf: {  	[sflag:s7] =	ssyncadd.s32 $0xFFFFFF80  }
0x10: {  	[tilespmem:s8], [sflag:$0x1] =	stream.indirect.gather [hbm4b:s3+s8], $0x80, s2, s8, $0xb8;
	[tilespmem:$0x4080] =	vst v63  }
0x11: {  	_ =	swait.ge [sflag:s9], $0x4000  }
0x12: {  	[sflag:s9] =	ssyncset.done $0x0  }
0x13: {  	[sflag:s9] =	ssyncadd.s32 $0xFFFFC000  }
0x14: {  	[hbm4b:s5+s2] =	stream.linear.scatter [tilespmem:s8], [sflag:$0x2], $0x4000, $0x38;
	[tilespmem:$0x4080] =	vst v63  }
0x15: {  	s12 =	simm.s32 $0x10;
	_ =	swait.ge [sflag:s7], $0x4000  }
0x16: {  	s13 =	simm.s32 $0x20;
	s11 =	sadd.s32 $0x800, s5;
	[sflag:s7] =	ssyncset.done $0x0  }
.LBB2_2:
0x17: {  	s14 =	sadd.s32 s12, s6  }
0x18: {  	[sflag:s7] =	ssyncadd.s32 $0xFFFFC000;
	s12 =	smov.u32 s13;
	s15 =	sadd.s32 $0x10, s13  }
0x19: {  	[tilespmem:s2], [sflag:$0x2] =	stream.linear.gather [hbm4b:s14+s2], $0x80, $0x38;
	[tilespmem:$0x4080] =	vst v63  }
0x1a: {  	p0 =	sne.s32 s13, $0x1F0;
	_ =	swait.ge [sflag:s7], $0x80  }
0x1b: {  	[sflag:s7] =	ssyncset.done $0x0  }
0x1c: {  	[sflag:s7] =	ssyncadd.s32 $0xFFFFFF80  }
0x1d: {  	[tilespmem:s8], [sflag:$0x1] =	stream.indirect.gather [hbm4b:s3+s8], $0x80, s2, s8, $0xb8;
	[tilespmem:$0x4080] =	vst v63  }
0x1e: {  	_ =	swait.ge [sflag:s9], $0x4000  }
.Ltmp0:
0x1f: {  	[sflag:s9] =	ssyncset.done $0x0;
	(pc) =	sbr.rel @p0 .LBB2_2-.Ltmp0, $4  }
0x20: {  	[sflag:s9] =	ssyncadd.s32 $0xFFFFC000  }
0x21: {  	[hbm4b:s11+s2] =	stream.linear.scatter [tilespmem:s8], [sflag:$0x2], $0x4000, $0x38;
	[tilespmem:$0x4080] =	vst v63  }
0x22: {  	_ =	swait.ge [sflag:s7], $0x4000  }
0x23: {  	s13 =	smov.u32 s15;
	s11 =	sadd.s32 $0x800, s11;
	[sflag:s7] =	ssyncset.done $0x0  }
0x24: {  	s12 =	sadd.s32 s12, s6;
	[sflag:s7] =	ssyncadd.s32 $0xFFFFC000  }
0x25: {  	[tilespmem:s2], [sflag:$0x2] =	stream.linear.gather [hbm4b:s12+s2], $0x80, $0x38;
	[tilespmem:$0x4080] =	vst v63  }
0x26: {  	_ =	swait.ge [sflag:s7], $0x80  }
0x27: {  	[sflag:s7] =	ssyncset.done $0x0  }
0x28: {  	[sflag:s7] =	ssyncadd.s32 $0xFFFFFF80  }
0x29: {  	[tilespmem:s8], [sflag:$0x1] =	stream.indirect.gather [hbm4b:s3+s8], $0x80, s2, s8, $0xb8;
	[tilespmem:$0x4080] =	vst v63  }
0x2a: {  	s10 =	sadd.s32 $0x1, s10;
	_ =	swait.ge [sflag:s9], $0x4000  }
0x2b: {  	p0 =	sne.s32 s10, s4;
	[sflag:s9] =	ssyncset.done $0x0  }
.Ltmp1:
0x2c: {  	[sflag:s9] =	ssyncadd.s32 $0xFFFFC000;
	(pc) =	sbr.rel @p0 .LBB2_1-.Ltmp1, $4  }
0x2d: {  	[hbm4b:s11+s2] =	stream.linear.scatter [tilespmem:s8], [sflag:$0x2], $0x4000, $0x38;
	[tilespmem:$0x4080] =	vst v63  }
0x2e: {  	_ =	swait.ge [sflag:s7], $0x4000  }
0x2f: {  	[sflag:s7] =	ssyncset.done $0x0  }
0x30: {  	[sflag:s7] =	ssyncadd.s32 $0xFFFFC000  }
0x31: {  	_ =	sfence.sel $0x180000  }
0x32: {  	[bflag:$0x0] =	sbarrier.arrive $0xFFFF  }
0x33: {  	p0 =	sne.s32 s1, $0x0;
	_ =	strace $0x9000004A  }
0x34: {  	s0 =	sadd.s32 @!p0 $0x100000, s0;
	[bflag:$0x2] =	sbarrier.arrive $0xFFFF  }
0x35: {  	[sflag:s0] =	ssyncadd.tile.s32 @!p0 $0x1;
	_ =	shalt  }
.Lfunc_end2:
_tile_overlayer_lowered:
.L_overlay_start_2:
0x36: {  	(tag) =	ssettag $0x2  }
0x37: {  	s0 =	rddreg [dreg:$0x0];
	s2 =	stileid.u32  }
0x38: {  	s1 =	rddreg [dreg:$0x1];
	p0 =	sne.s32 s2, $0x0  }
0x39: {  	s3 =	rddreg [dreg:$0x2];
	[bflag:$0x3] =	sbarrier.arrive $0xFFFF;
	s2 =	simm.s32 @!p0 $0x1C02  }
0x3a: {  	[timem:s3], [sflag:s2] =	dma.local @!p0 [hbm:s0], s1  }
0x3b: {  	s0 =	simm.s32 @!p0 $0x2  }
0x3c: {  	_ =	swait.ge @!p0 [sflag:s0], s1  }
0x3d: {  	s1 =	ssub.s32 @!p0 $0x0, s1;
	[sflag:s0] =	ssyncset.done @!p0 $0x0  }
0x3e: {  	[sflag:s0] =	ssyncadd.s32 @!p0 s1  }
0x3f: {  	[bflag:$0x3] =	sbarrier.arrive $0xFFFF  }
0x40: {  	_ =	shalt  }

</sc_bundles>
